<compile_context>
chip_gen: v7x
topology: tpu7x:2x2x1
jax: 0.10.2.dev20260603
libtpu: 0.0.44.dev20260713+nightly
codegen_flags: <defaults>
</compile_context>

<pallas_src>
import functools

import jax
import jax.numpy as jnp
from jax import lax
from jax.experimental import pallas as pl
from jax.experimental.pallas import tpu as pltpu
from jax.experimental.pallas import tpu_sc as plsc

B = 16384 * 50
D = 64
P = 8
W = P * D
NC = 2
NS = 16
NW = NC * NS
BPW = B // NW
CHUNK = 640
NO = CHUNK // P
NCHUNKS = BPW // CHUNK
OPW = BPW // P
NVEC = NO // 16

def _quad_code(x):
    a = x & 0xFF
    b = lax.shift_right_logical(x, 8) & 0xFF
    c = lax.shift_right_logical(x, 16) & 0xFF
    d = lax.shift_right_logical(x, 24)
    return a * 27 + b * 9 + c * 3 + d


def _make_kernel(ncores, ogroups):
    mesh = plsc.VectorSubcoreMesh(
        core_axis_name="c", subcore_axis_name="s", num_cores=ncores
    )
    opw = ogroups // (ncores * NS)
    nchunks = opw // NO

    @functools.partial(
        pl.kernel,
        mesh=mesh,
        out_type=jax.ShapeDtypeStruct((ogroups, W), jnp.float32),
        scratch_types=[
            pltpu.VMEM((2, NO), jnp.int32),
            pltpu.VMEM((2, NO), jnp.int32),
            pltpu.VMEM((2, NO), jnp.int32),
            pltpu.VMEM((2, NO, W), jnp.float32),
            pltpu.SemaphoreType.DMA,
            pltpu.SemaphoreType.DMA,
            pltpu.SemaphoreType.DMA,
            pltpu.SemaphoreType.DMA,
            pltpu.SemaphoreType.DMA,
            pltpu.SemaphoreType.DMA,
        ],
    )
    def _emb_lookup(ev_hbm, od_hbm, otable_hbm, out_hbm,
                    ev_v, od_v, oct_v, rows_v,
                    si0, si1, sg0, sg1, sw0, sw1):
        wid = lax.axis_index("s") * ncores + lax.axis_index("c")
        obase = wid * opw

        s_idx = (si0, si1)
        s_wr = (sw0, sw1)
        s_g = (sg0, sg1)

        def idx_start(c, b):
            off = pl.multiple_of(obase + c * NO, NO)
            pltpu.async_copy(ev_hbm.at[pl.ds(off, NO)], ev_v.at[b], s_idx[b])
            pltpu.async_copy(od_hbm.at[pl.ds(off, NO)], od_v.at[b], s_idx[b])

        def idx_wait(b):
            pltpu.make_async_copy(
                ev_hbm.at[pl.ds(0, NO)], ev_v.at[b], s_idx[b]
            ).wait()
            pltpu.make_async_copy(
                od_hbm.at[pl.ds(0, NO)], od_v.at[b], s_idx[b]
            ).wait()

        def write_wait(b):
            pltpu.make_async_copy(
                rows_v.at[b], out_hbm.at[pl.ds(0, NO), :], s_wr[b]
            ).wait()

        def do_chunk(i, c, b):
            idx_wait(b)
            for v in range(NVEC):
                e = _quad_code(ev_v[b, pl.ds(v * 16, 16)])
                o = _quad_code(od_v[b, pl.ds(v * 16, 16)])
                oct_v[b, pl.ds(v * 16, 16)] = e * 81 + o

            @pl.when(i > 0)
            def _():
                write_wait(b)

            gather = pltpu.async_copy(
                otable_hbm.at[oct_v.at[b]], rows_v.at[b], s_g[b]
            )

            @pl.when(c + 1 < nchunks)
            def _():
                idx_start(c + 1, b ^ 1)

            gather.wait()
            off = pl.multiple_of(obase + c * NO, NO)
            pltpu.async_copy(
                rows_v.at[b], out_hbm.at[pl.ds(off, NO), :], s_wr[b]
            )

        idx_start(0, 0)

        def body(i, carry):
            do_chunk(i, 2 * i, 0)
            do_chunk(i, 2 * i + 1, 1)
            return carry

        lax.fori_loop(0, nchunks // 2, body, 0)

        write_wait(0)
        write_wait(1)

    return _emb_lookup


_emb_full = _make_kernel(NC, B // P)


def kernel(indices, table):
    words = lax.bitcast_convert_type(
        indices.astype(jnp.int8).reshape(B // 4, 4), jnp.int32
    )
    ev = lax.slice(words, (0,), (B // 4,), (2,))
    od = lax.slice(words, (1,), (B // 4,), (2,))
    codes = jnp.arange(81)
    qtable = jnp.concatenate(
        [
            table[codes // 27],
            table[(codes // 9) % 3],
            table[(codes // 3) % 3],
            table[codes % 3],
        ],
        axis=1,
    )
    codes8 = jnp.arange(6561)
    otable = jnp.concatenate([qtable[codes8 // 81], qtable[codes8 % 81]], axis=1)
    out = _emb_full(ev, od, otable)
    return out.reshape(indices.shape[0], indices.shape[1], D)

# --- scband reference (transcript-rebuilt; emitter-appended) ---
"""Pipeline reference for scband-sensor-embeddings-20272245637769 (READ-ONLY COPY).

The authoritative reference and input builder live on the scoring server;
editing this copy changes nothing except your own understanding.
"""

import jax, jax.numpy as jnp
import numpy as np

EMBED_DIM = 64
NUM_EMB = 3

def setup_inputs(seed: int = 0) -> dict:
    key = jax.random.key(seed)
    k1, k2 = jax.random.split(key)
    indices = jax.random.randint(k1, (16384, 50), 0, NUM_EMB, dtype=jnp.int64 if jax.config.jax_enable_x64 else jnp.int32)
    # embedding table, normal init like nn.Embedding default
    table = jax.random.normal(k2, (NUM_EMB, EMBED_DIM), dtype=jnp.float32)
    return {"indices": indices, "table": table}

def reference(indices, table):
    # nn.Embedding forward: gather rows of table by indices
    return jnp.take(table, indices, axis=0)

if __name__ == "__main__":
    import jax
    _d = setup_inputs()
    print(jax.jit(kernel)(*tuple(_d.values())))

</pallas_src>

<mosaic_0001>
#map = affine_map<(d0, d1) -> (0)>
#map1 = affine_map<(d0, d1) -> (0, 0)>
module attributes {stable_mosaic.version = 14 : i64} {
  func.func @_emb_lookup(%arg0: i32, %arg1: i32, %arg2: memref<102400xi32, #tpu.memory_space<hbm>>, %arg3: memref<102400xi32, #tpu.memory_space<hbm>>, %arg4: memref<6561x512xf32, #tpu.memory_space<hbm>>, %arg5: memref<102400x512xf32, #tpu.memory_space<hbm>>, %arg6: memref<2x80xi32, #tpu.memory_space<vmem>>, %arg7: memref<2x80xi32, #tpu.memory_space<vmem>>, %arg8: memref<2x80xi32, #tpu.memory_space<vmem>>, %arg9: memref<2x80x512xf32, #tpu.memory_space<vmem>>, %arg10: memref<!tpu.dma_semaphore, #tpu.memory_space<semaphore_mem>>, %arg11: memref<!tpu.dma_semaphore, #tpu.memory_space<semaphore_mem>>, %arg12: memref<!tpu.dma_semaphore, #tpu.memory_space<semaphore_mem>>, %arg13: memref<!tpu.dma_semaphore, #tpu.memory_space<semaphore_mem>>, %arg14: memref<!tpu.dma_semaphore, #tpu.memory_space<semaphore_mem>>, %arg15: memref<!tpu.dma_semaphore, #tpu.memory_space<semaphore_mem>>) attributes {dimension_semantics = [#tpu.dimension_semantics<core_parallel>, #tpu.dimension_semantics<subcore_parallel>], iteration_bounds = array<i64: 2, 16>, scalar_prefetch = 0 : i64, scratch_operands = 10 : i64, tpu.core_type = #tpu.core_type<sc_vector_subcore>, window_params = [{transform_indices = #map}, {transform_indices = #map}, {transform_indices = #map1}, {transform_indices = #map1}]} {
    %mul3A = arith.constant 2 : i32
    %mul3A_0 = arith.muli %arg1, %mul3A : i32
    %add3A = arith.addi %mul3A_0, %arg0 : i32
    %mul3A_1 = arith.constant 3200 : i32
    %mul3A_2 = arith.muli %add3A, %mul3A_1 : i32
    %add3A_3 = arith.constant 0 : i32
    %add3A_4 = arith.addi %mul3A_2, %add3A_3 : i32
    %multiple_of3A = tpu.assume_multiple %add3A_4, 80 : i32
    %dma_start3A = arith.constant 0 : i32
    %dma_start3A_5 = arith.constant 0 : i32
    %dma_start3A_6 = tpu.memref_slice %arg6[%dma_start3A, %dma_start3A_5] : memref<2x80xi32, #tpu.memory_space<vmem>> -> memref<1x80xi32, #tpu.memory_space<vmem>>
    %dma_start3A_7 = tpu.memref_squeeze %dma_start3A_6 : memref<1x80xi32, #tpu.memory_space<vmem>> -> memref<80xi32, #tpu.memory_space<vmem>>
    %dma_start3A_8 = tpu.memref_slice %arg2[%multiple_of3A] : memref<102400xi32, #tpu.memory_space<hbm>> -> memref<80xi32, #tpu.memory_space<hbm>>
    %dma_start3A_9 = arith.constant 0 : i32
    %dma_start3A_10 = tpu.memref_slice %arg6[%dma_start3A, %dma_start3A_9] : memref<2x80xi32, #tpu.memory_space<vmem>> -> memref<1x80xi32, #tpu.memory_space<vmem>>
    %dma_start3A_11 = tpu.memref_squeeze %dma_start3A_10 : memref<1x80xi32, #tpu.memory_space<vmem>> -> memref<80xi32, #tpu.memory_space<vmem>>
    %dma_start3A_12 = tpu.memref_slice %arg2[%multiple_of3A] : memref<102400xi32, #tpu.memory_space<hbm>> -> memref<80xi32, #tpu.memory_space<hbm>>
    tpu.enqueue_dma source(%dma_start3A_12 : memref<80xi32, #tpu.memory_space<hbm>>) target(%dma_start3A_11 : memref<80xi32, #tpu.memory_space<vmem>>) target_semaphore(%arg10 : memref<!tpu.dma_semaphore, #tpu.memory_space<semaphore_mem>>)
    %dma_start3A_13 = arith.constant 0 : i32
    %dma_start3A_14 = arith.constant 0 : i32
    %dma_start3A_15 = tpu.memref_slice %arg7[%dma_start3A_13, %dma_start3A_14] : memref<2x80xi32, #tpu.memory_space<vmem>> -> memref<1x80xi32, #tpu.memory_space<vmem>>
    %dma_start3A_16 = tpu.memref_squeeze %dma_start3A_15 : memref<1x80xi32, #tpu.memory_space<vmem>> -> memref<80xi32, #tpu.memory_space<vmem>>
    %dma_start3A_17 = tpu.memref_slice %arg3[%multiple_of3A] : memref<102400xi32, #tpu.memory_space<hbm>> -> memref<80xi32, #tpu.memory_space<hbm>>
    %dma_start3A_18 = arith.constant 0 : i32
    %dma_start3A_19 = tpu.memref_slice %arg7[%dma_start3A_13, %dma_start3A_18] : memref<2x80xi32, #tpu.memory_space<vmem>> -> memref<1x80xi32, #tpu.memory_space<vmem>>
    %dma_start3A_20 = tpu.memref_squeeze %dma_start3A_19 : memref<1x80xi32, #tpu.memory_space<vmem>> -> memref<80xi32, #tpu.memory_space<vmem>>
    %dma_start3A_21 = tpu.memref_slice %arg3[%multiple_of3A] : memref<102400xi32, #tpu.memory_space<hbm>> -> memref<80xi32, #tpu.memory_space<hbm>>
    tpu.enqueue_dma source(%dma_start3A_21 : memref<80xi32, #tpu.memory_space<hbm>>) target(%dma_start3A_20 : memref<80xi32, #tpu.memory_space<vmem>>) target_semaphore(%arg10 : memref<!tpu.dma_semaphore, #tpu.memory_space<semaphore_mem>>)
    %scan3A = arith.constant 0 : i32
    %scan3A_22 = arith.constant 0 : i32
    %scan3A_23 = arith.constant 20 : i32
    %scan3A_24 = arith.addi %scan3A_22, %scan3A_23 : i32
    %scan3A_25 = arith.constant 1 : i32
    scf.for %scan3A_56 = %scan3A_22 to %scan3A_24 step %scan3A_25  : i32 {
      %mul3A_57 = arith.constant 2 : i32
      %mul3A_58 = arith.muli %mul3A_57, %scan3A_56 : i32
      %dma_wait3A_59 = arith.constant 0 : i32
      %dma_wait3A_60 = arith.constant 0 : i32
      %dma_wait3A_61 = tpu.memref_slice %arg6[%dma_wait3A_59, %dma_wait3A_60] : memref<2x80xi32, #tpu.memory_space<vmem>> -> memref<1x80xi32, #tpu.memory_space<vmem>>
      %dma_wait3A_62 = tpu.memref_squeeze %dma_wait3A_61 : memref<1x80xi32, #tpu.memory_space<vmem>> -> memref<80xi32, #tpu.memory_space<vmem>>
      %dma_wait3A_63 = arith.constant 0 : i32
      %dma_wait3A_64 = tpu.memref_slice %arg2[%dma_wait3A_63] : memref<102400xi32, #tpu.memory_space<hbm>> -> memref<80xi32, #tpu.memory_space<hbm>>
      %dma_wait3A_65 = arith.constant 0 : i32
      %dma_wait3A_66 = tpu.memref_slice %arg6[%dma_wait3A_59, %dma_wait3A_65] : memref<2x80xi32, #tpu.memory_space<vmem>> -> memref<1x80xi32, #tpu.memory_space<vmem>>
      %dma_wait3A_67 = tpu.memref_squeeze %dma_wait3A_66 : memref<1x80xi32, #tpu.memory_space<vmem>> -> memref<80xi32, #tpu.memory_space<vmem>>
      %dma_wait3A_68 = arith.constant 0 : i32
      %dma_wait3A_69 = tpu.memref_slice %arg2[%dma_wait3A_68] : memref<102400xi32, #tpu.memory_space<hbm>> -> memref<80xi32, #tpu.memory_space<hbm>>
      tpu.wait_dma2 semaphore(%arg10 : memref<!tpu.dma_semaphore, #tpu.memory_space<semaphore_mem>>) src(%dma_wait3A_69 : memref<80xi32, #tpu.memory_space<hbm>>) dst(%dma_wait3A_67 : memref<80xi32, #tpu.memory_space<vmem>>)
      %dma_wait3A_70 = arith.constant 0 : i32
      %dma_wait3A_71 = arith.constant 0 : i32
      %dma_wait3A_72 = tpu.memref_slice %arg7[%dma_wait3A_70, %dma_wait3A_71] : memref<2x80xi32, #tpu.memory_space<vmem>> -> memref<1x80xi32, #tpu.memory_space<vmem>>
      %dma_wait3A_73 = tpu.memref_squeeze %dma_wait3A_72 : memref<1x80xi32, #tpu.memory_space<vmem>> -> memref<80xi32, #tpu.memory_space<vmem>>
      %dma_wait3A_74 = arith.constant 0 : i32
      %dma_wait3A_75 = tpu.memref_slice %arg3[%dma_wait3A_74] : memref<102400xi32, #tpu.memory_space<hbm>> -> memref<80xi32, #tpu.memory_space<hbm>>
      %dma_wait3A_76 = arith.constant 0 : i32
      %dma_wait3A_77 = tpu.memref_slice %arg7[%dma_wait3A_70, %dma_wait3A_76] : memref<2x80xi32, #tpu.memory_space<vmem>> -> memref<1x80xi32, #tpu.memory_space<vmem>>
      %dma_wait3A_78 = tpu.memref_squeeze %dma_wait3A_77 : memref<1x80xi32, #tpu.memory_space<vmem>> -> memref<80xi32, #tpu.memory_space<vmem>>
      %dma_wait3A_79 = arith.constant 0 : i32
      %dma_wait3A_80 = tpu.memref_slice %arg3[%dma_wait3A_79] : memref<102400xi32, #tpu.memory_space<hbm>> -> memref<80xi32, #tpu.memory_space<hbm>>
      tpu.wait_dma2 semaphore(%arg10 : memref<!tpu.dma_semaphore, #tpu.memory_space<semaphore_mem>>) src(%dma_wait3A_80 : memref<80xi32, #tpu.memory_space<hbm>>) dst(%dma_wait3A_78 : memref<80xi32, #tpu.memory_space<vmem>>)
      %get3A = arith.constant 0 : i32
      %get3A_81 = arith.index_cast %get3A : i32 to index
      %get3A_82 = arith.constant 0 : index
      %get3A_83 = tpu.vector_load %arg6[%get3A_81, %get3A_82] {strides = array<i32>} : memref<2x80xi32, #tpu.memory_space<vmem>>, vector<1x16xi32>,
      %get3A_84 = vector.shape_cast %get3A_83 : vector<1x16xi32> to vector<16xi32>
      %and3A = arith.constant 255 : i32
      %and3A_85 = vector.broadcast %and3A : i32 to vector<16xi32>
      %and3A_86 = arith.andi %get3A_84, %and3A_85 : vector<16xi32>
      %shift_right_logical3A = arith.constant 8 : i32
      %shift_right_logical3A_87 = vector.broadcast %shift_right_logical3A : i32 to vector<16xi32>
      %shift_right_logical3A_88 = arith.shrui %get3A_84, %shift_right_logical3A_87 : vector<16xi32>
      %and3A_89 = arith.constant 255 : i32
      %and3A_90 = vector.broadcast %and3A_89 : i32 to vector<16xi32>
      %and3A_91 = arith.andi %shift_right_logical3A_88, %and3A_90 : vector<16xi32>
      %shift_right_logical3A_92 = arith.constant 16 : i32
      %shift_right_logical3A_93 = vector.broadcast %shift_right_logical3A_92 : i32 to vector<16xi32>
      %shift_right_logical3A_94 = arith.shrui %get3A_84, %shift_right_logical3A_93 : vector<16xi32>
      %and3A_95 = arith.constant 255 : i32
      %and3A_96 = vector.broadcast %and3A_95 : i32 to vector<16xi32>
      %and3A_97 = arith.andi %shift_right_logical3A_94, %and3A_96 : vector<16xi32>
      %shift_right_logical3A_98 = arith.constant 24 : i32
      %shift_right_logical3A_99 = vector.broadcast %shift_right_logical3A_98 : i32 to vector<16xi32>
      %shift_right_logical3A_100 = arith.shrui %get3A_84, %shift_right_logical3A_99 : vector<16xi32>
      %mul3A_101 = arith.constant 27 : i32
      %mul3A_102 = vector.broadcast %mul3A_101 : i32 to vector<16xi32>
      %mul3A_103 = arith.muli %and3A_86, %mul3A_102 : vector<16xi32>
      %mul3A_104 = arith.constant 9 : i32
      %mul3A_105 = vector.broadcast %mul3A_104 : i32 to vector<16xi32>
      %mul3A_106 = arith.muli %and3A_91, %mul3A_105 : vector<16xi32>
      %add3A_107 = arith.addi %mul3A_103, %mul3A_106 : vector<16xi32>
      %mul3A_108 = arith.constant 3 : i32
      %mul3A_109 = vector.broadcast %mul3A_108 : i32 to vector<16xi32>
      %mul3A_110 = arith.muli %and3A_97, %mul3A_109 : vector<16xi32>
      %add3A_111 = arith.addi %add3A_107, %mul3A_110 : vector<16xi32>
      %add3A_112 = arith.addi %add3A_111, %shift_right_logical3A_100 : vector<16xi32>
      %get3A_113 = arith.constant 0 : i32
      %get3A_114 = arith.index_cast %get3A_113 : i32 to index
      %get3A_115 = arith.constant 0 : index
      %get3A_116 = tpu.vector_load %arg7[%get3A_114, %get3A_115] {strides = array<i32>} : memref<2x80xi32, #tpu.memory_space<vmem>>, vector<1x16xi32>,
      %get3A_117 = vector.shape_cast %get3A_116 : vector<1x16xi32> to vector<16xi32>
      %and3A_118 = arith.constant 255 : i32
      %and3A_119 = vector.broadcast %and3A_118 : i32 to vector<16xi32>
      %and3A_120 = arith.andi %get3A_117, %and3A_119 : vector<16xi32>
      %shift_right_logical3A_121 = arith.constant 8 : i32
      %shift_right_logical3A_122 = vector.broadcast %shift_right_logical3A_121 : i32 to vector<16xi32>
      %shift_right_logical3A_123 = arith.shrui %get3A_117, %shift_right_logical3A_122 : vector<16xi32>
      %and3A_124 = arith.constant 255 : i32
      %and3A_125 = vector.broadcast %and3A_124 : i32 to vector<16xi32>
      %and3A_126 = arith.andi %shift_right_logical3A_123, %and3A_125 : vector<16xi32>
      %shift_right_logical3A_127 = arith.constant 16 : i32
      %shift_right_logical3A_128 = vector.broadcast %shift_right_logical3A_127 : i32 to vector<16xi32>
      %shift_right_logical3A_129 = arith.shrui %get3A_117, %shift_right_logical3A_128 : vector<16xi32>
      %and3A_130 = arith.constant 255 : i32
      %and3A_131 = vector.broadcast %and3A_130 : i32 to vector<16xi32>
      %and3A_132 = arith.andi %shift_right_logical3A_129, %and3A_131 : vector<16xi32>
      %shift_right_logical3A_133 = arith.constant 24 : i32
      %shift_right_logical3A_134 = vector.broadcast %shift_right_logical3A_133 : i32 to vector<16xi32>
      %shift_right_logical3A_135 = arith.shrui %get3A_117, %shift_right_logical3A_134 : vector<16xi32>
      %mul3A_136 = arith.constant 27 : i32
      %mul3A_137 = vector.broadcast %mul3A_136 : i32 to vector<16xi32>
      %mul3A_138 = arith.muli %and3A_120, %mul3A_137 : vector<16xi32>
      %mul3A_139 = arith.constant 9 : i32
      %mul3A_140 = vector.broadcast %mul3A_139 : i32 to vector<16xi32>
      %mul3A_141 = arith.muli %and3A_126, %mul3A_140 : vector<16xi32>
      %add3A_142 = arith.addi %mul3A_138, %mul3A_141 : vector<16xi32>
      %mul3A_143 = arith.constant 3 : i32
      %mul3A_144 = vector.broadcast %mul3A_143 : i32 to vector<16xi32>
      %mul3A_145 = arith.muli %and3A_132, %mul3A_144 : vector<16xi32>
      %add3A_146 = arith.addi %add3A_142, %mul3A_145 : vector<16xi32>
      %add3A_147 = arith.addi %add3A_146, %shift_right_logical3A_135 : vector<16xi32>
      %mul3A_148 = arith.constant 81 : i32
      %mul3A_149 = vector.broadcast %mul3A_148 : i32 to vector<16xi32>
      %mul3A_150 = arith.muli %add3A_112, %mul3A_149 : vector<16xi32>
      %add3A_151 = arith.addi %mul3A_150, %add3A_147 : vector<16xi32>
      %swap3A = arith.constant 0 : i32
      %swap3A_152 = arith.index_cast %swap3A : i32 to index
      %swap3A_153 = arith.constant 0 : index
      %swap3A_154 = tpu.vector_load %arg8[%swap3A_152, %swap3A_153] {strides = array<i32>} : memref<2x80xi32, #tpu.memory_space<vmem>>, vector<1x16xi32>,
      %swap3A_155 = vector.shape_cast %swap3A_154 : vector<1x16xi32> to vector<16xi32>
      %swap3A_156 = vector.shape_cast %add3A_151 : vector<16xi32> to vector<1x16xi32>
      tpu.vector_store %arg8[%swap3A_152, %swap3A_153], %swap3A_156 {strides = array<i32>} : memref<2x80xi32, #tpu.memory_space<vmem>>, vector<1x16xi32>,
      %get3A_157 = arith.constant 0 : i32
      %get3A_158 = arith.index_cast %get3A_157 : i32 to index
      %get3A_159 = arith.constant 16 : index
      %get3A_160 = tpu.vector_load %arg6[%get3A_158, %get3A_159] {strides = array<i32>} : memref<2x80xi32, #tpu.memory_space<vmem>>, vector<1x16xi32>,
      %get3A_161 = vector.shape_cast %get3A_160 : vector<1x16xi32> to vector<16xi32>
      %and3A_162 = arith.constant 255 : i32
      %and3A_163 = vector.broadcast %and3A_162 : i32 to vector<16xi32>
      %and3A_164 = arith.andi %get3A_161, %and3A_163 : vector<16xi32>
      %shift_right_logical3A_165 = arith.constant 8 : i32
      %shift_right_logical3A_166 = vector.broadcast %shift_right_logical3A_165 : i32 to vector<16xi32>
      %shift_right_logical3A_167 = arith.shrui %get3A_161, %shift_right_logical3A_166 : vector<16xi32>
      %and3A_168 = arith.constant 255 : i32
      %and3A_169 = vector.broadcast %and3A_168 : i32 to vector<16xi32>
      %and3A_170 = arith.andi %shift_right_logical3A_167, %and3A_169 : vector<16xi32>
      %shift_right_logical3A_171 = arith.constant 16 : i32
      %shift_right_logical3A_172 = vector.broadcast %shift_right_logical3A_171 : i32 to vector<16xi32>
      %shift_right_logical3A_173 = arith.shrui %get3A_161, %shift_right_logical3A_172 : vector<16xi32>
      %and3A_174 = arith.constant 255 : i32
      %and3A_175 = vector.broadcast %and3A_174 : i32 to vector<16xi32>
      %and3A_176 = arith.andi %shift_right_logical3A_173, %and3A_175 : vector<16xi32>
      %shift_right_logical3A_177 = arith.constant 24 : i32
      %shift_right_logical3A_178 = vector.broadcast %shift_right_logical3A_177 : i32 to vector<16xi32>
      %shift_right_logical3A_179 = arith.shrui %get3A_161, %shift_right_logical3A_178 : vector<16xi32>
      %mul3A_180 = arith.constant 27 : i32
      %mul3A_181 = vector.broadcast %mul3A_180 : i32 to vector<16xi32>
      %mul3A_182 = arith.muli %and3A_164, %mul3A_181 : vector<16xi32>
      %mul3A_183 = arith.constant 9 : i32
      %mul3A_184 = vector.broadcast %mul3A_183 : i32 to vector<16xi32>
      %mul3A_185 = arith.muli %and3A_170, %mul3A_184 : vector<16xi32>
      %add3A_186 = arith.addi %mul3A_182, %mul3A_185 : vector<16xi32>
      %mul3A_187 = arith.constant 3 : i32
      %mul3A_188 = vector.broadcast %mul3A_187 : i32 to vector<16xi32>
      %mul3A_189 = arith.muli %and3A_176, %mul3A_188 : vector<16xi32>
      %add3A_190 = arith.addi %add3A_186, %mul3A_189 : vector<16xi32>
      %add3A_191 = arith.addi %add3A_190, %shift_right_logical3A_179 : vector<16xi32>
      %get3A_192 = arith.constant 0 : i32
      %get3A_193 = arith.index_cast %get3A_192 : i32 to index
      %get3A_194 = arith.constant 16 : index
      %get3A_195 = tpu.vector_load %arg7[%get3A_193, %get3A_194] {strides = array<i32>} : memref<2x80xi32, #tpu.memory_space<vmem>>, vector<1x16xi32>,
      %get3A_196 = vector.shape_cast %get3A_195 : vector<1x16xi32> to vector<16xi32>
      %and3A_197 = arith.constant 255 : i32
      %and3A_198 = vector.broadcast %and3A_197 : i32 to vector<16xi32>
      %and3A_199 = arith.andi %get3A_196, %and3A_198 : vector<16xi32>
      %shift_right_logical3A_200 = arith.constant 8 : i32
      %shift_right_logical3A_201 = vector.broadcast %shift_right_logical3A_200 : i32 to vector<16xi32>
      %shift_right_logical3A_202 = arith.shrui %get3A_196, %shift_right_logical3A_201 : vector<16xi32>
      %and3A_203 = arith.constant 255 : i32
      %and3A_204 = vector.broadcast %and3A_203 : i32 to vector<16xi32>
      %and3A_205 = arith.andi %shift_right_logical3A_202, %and3A_204 : vector<16xi32>
      %shift_right_logical3A_206 = arith.constant 16 : i32
      %shift_right_logical3A_207 = vector.broadcast %shift_right_logical3A_206 : i32 to vector<16xi32>
      %shift_right_logical3A_208 = arith.shrui %get3A_196, %shift_right_logical3A_207 : vector<16xi32>
      %and3A_209 = arith.constant 255 : i32
      %and3A_210 = vector.broadcast %and3A_209 : i32 to vector<16xi32>
      %and3A_211 = arith.andi %shift_right_logical3A_208, %and3A_210 : vector<16xi32>
      %shift_right_logical3A_212 = arith.constant 24 : i32
      %shift_right_logical3A_213 = vector.broadcast %shift_right_logical3A_212 : i32 to vector<16xi32>
      %shift_right_logical3A_214 = arith.shrui %get3A_196, %shift_right_logical3A_213 : vector<16xi32>
      %mul3A_215 = arith.constant 27 : i32
      %mul3A_216 = vector.broadcast %mul3A_215 : i32 to vector<16xi32>
      %mul3A_217 = arith.muli %and3A_199, %mul3A_216 : vector<16xi32>
      %mul3A_218 = arith.constant 9 : i32
      %mul3A_219 = vector.broadcast %mul3A_218 : i32 to vector<16xi32>
      %mul3A_220 = arith.muli %and3A_205, %mul3A_219 : vector<16xi32>
      %add3A_221 = arith.addi %mul3A_217, %mul3A_220 : vector<16xi32>
      %mul3A_222 = arith.constant 3 : i32
      %mul3A_223 = vector.broadcast %mul3A_222 : i32 to vector<16xi32>
      %mul3A_224 = arith.muli %and3A_211, %mul3A_223 : vector<16xi32>
      %add3A_225 = arith.addi %add3A_221, %mul3A_224 : vector<16xi32>
      %add3A_226 = arith.addi %add3A_225, %shift_right_logical3A_214 : vector<16xi32>
      %mul3A_227 = arith.constant 81 : i32
      %mul3A_228 = vector.broadcast %mul3A_227 : i32 to vector<16xi32>
      %mul3A_229 = arith.muli %add3A_191, %mul3A_228 : vector<16xi32>
      %add3A_230 = arith.addi %mul3A_229, %add3A_226 : vector<16xi32>
      %swap3A_231 = arith.constant 0 : i32
      %swap3A_232 = arith.index_cast %swap3A_231 : i32 to index
      %swap3A_233 = arith.constant 16 : index
      %swap3A_234 = tpu.vector_load %arg8[%swap3A_232, %swap3A_233] {strides = array<i32>} : memref<2x80xi32, #tpu.memory_space<vmem>>, vector<1x16xi32>,
      %swap3A_235 = vector.shape_cast %swap3A_234 : vector<1x16xi32> to vector<16xi32>
      %swap3A_236 = vector.shape_cast %add3A_230 : vector<16xi32> to vector<1x16xi32>
      tpu.vector_store %arg8[%swap3A_232, %swap3A_233], %swap3A_236 {strides = array<i32>} : memref<2x80xi32, #tpu.memory_space<vmem>>, vector<1x16xi32>,
      %get3A_237 = arith.constant 0 : i32
      %get3A_238 = arith.index_cast %get3A_237 : i32 to index
      %get3A_239 = arith.constant 32 : index
      %get3A_240 = tpu.vector_load %arg6[%get3A_238, %get3A_239] {strides = array<i32>} : memref<2x80xi32, #tpu.memory_space<vmem>>, vector<1x16xi32>,
      %get3A_241 = vector.shape_cast %get3A_240 : vector<1x16xi32> to vector<16xi32>
      %and3A_242 = arith.constant 255 : i32
      %and3A_243 = vector.broadcast %and3A_242 : i32 to vector<16xi32>
      %and3A_244 = arith.andi %get3A_241, %and3A_243 : vector<16xi32>
      %shift_right_logical3A_245 = arith.constant 8 : i32
      %shift_right_logical3A_246 = vector.broadcast %shift_right_logical3A_245 : i32 to vector<16xi32>
      %shift_right_logical3A_247 = arith.shrui %get3A_241, %shift_right_logical3A_246 : vector<16xi32>
      %and3A_248 = arith.constant 255 : i32
      %and3A_249 = vector.broadcast %and3A_248 : i32 to vector<16xi32>
      %and3A_250 = arith.andi %shift_right_logical3A_247, %and3A_249 : vector<16xi32>
      %shift_right_logical3A_251 = arith.constant 16 : i32
      %shift_right_logical3A_252 = vector.broadcast %shift_right_logical3A_251 : i32 to vector<16xi32>
      %shift_right_logical3A_253 = arith.shrui %get3A_241, %shift_right_logical3A_252 : vector<16xi32>
      %and3A_254 = arith.constant 255 : i32
      %and3A_255 = vector.broadcast %and3A_254 : i32 to vector<16xi32>
      %and3A_256 = arith.andi %shift_right_logical3A_253, %and3A_255 : vector<16xi32>
      %shift_right_logical3A_257 = arith.constant 24 : i32
      %shift_right_logical3A_258 = vector.broadcast %shift_right_logical3A_257 : i32 to vector<16xi32>
      %shift_right_logical3A_259 = arith.shrui %get3A_241, %shift_right_logical3A_258 : vector<16xi32>
      %mul3A_260 = arith.constant 27 : i32
      %mul3A_261 = vector.broadcast %mul3A_260 : i32 to vector<16xi32>
      %mul3A_262 = arith.muli %and3A_244, %mul3A_261 : vector<16xi32>
      %mul3A_263 = arith.constant 9 : i32
      %mul3A_264 = vector.broadcast %mul3A_263 : i32 to vector<16xi32>
      %mul3A_265 = arith.muli %and3A_250, %mul3A_264 : vector<16xi32>
      %add3A_266 = arith.addi %mul3A_262, %mul3A_265 : vector<16xi32>
      %mul3A_267 = arith.constant 3 : i32
      %mul3A_268 = vector.broadcast %mul3A_267 : i32 to vector<16xi32>
      %mul3A_269 = arith.muli %and3A_256, %mul3A_268 : vector<16xi32>
      %add3A_270 = arith.addi %add3A_266, %mul3A_269 : vector<16xi32>
      %add3A_271 = arith.addi %add3A_270, %shift_right_logical3A_259 : vector<16xi32>
      %get3A_272 = arith.constant 0 : i32
      %get3A_273 = arith.index_cast %get3A_272 : i32 to index
      %get3A_274 = arith.constant 32 : index
      %get3A_275 = tpu.vector_load %arg7[%get3A_273, %get3A_274] {strides = array<i32>} : memref<2x80xi32, #tpu.memory_space<vmem>>, vector<1x16xi32>,
      %get3A_276 = vector.shape_cast %get3A_275 : vector<1x16xi32> to vector<16xi32>
      %and3A_277 = arith.constant 255 : i32
      %and3A_278 = vector.broadcast %and3A_277 : i32 to vector<16xi32>
      %and3A_279 = arith.andi %get3A_276, %and3A_278 : vector<16xi32>
      %shift_right_logical3A_280 = arith.constant 8 : i32
      %shift_right_logical3A_281 = vector.broadcast %shift_right_logical3A_280 : i32 to vector<16xi32>
      %shift_right_logical3A_282 = arith.shrui %get3A_276, %shift_right_logical3A_281 : vector<16xi32>
      %and3A_283 = arith.constant 255 : i32
      %and3A_284 = vector.broadcast %and3A_283 : i32 to vector<16xi32>
      %and3A_285 = arith.andi %shift_right_logical3A_282, %and3A_284 : vector<16xi32>
      %shift_right_logical3A_286 = arith.constant 16 : i32
      %shift_right_logical3A_287 = vector.broadcast %shift_right_logical3A_286 : i32 to vector<16xi32>
      %shift_right_logical3A_288 = arith.shrui %get3A_276, %shift_right_logical3A_287 : vector<16xi32>
      %and3A_289 = arith.constant 255 : i32
      %and3A_290 = vector.broadcast %and3A_289 : i32 to vector<16xi32>
      %and3A_291 = arith.andi %shift_right_logical3A_288, %and3A_290 : vector<16xi32>
      %shift_right_logical3A_292 = arith.constant 24 : i32
      %shift_right_logical3A_293 = vector.broadcast %shift_right_logical3A_292 : i32 to vector<16xi32>
      %shift_right_logical3A_294 = arith.shrui %get3A_276, %shift_right_logical3A_293 : vector<16xi32>
      %mul3A_295 = arith.constant 27 : i32
      %mul3A_296 = vector.broadcast %mul3A_295 : i32 to vector<16xi32>
      %mul3A_297 = arith.muli %and3A_279, %mul3A_296 : vector<16xi32>
      %mul3A_298 = arith.constant 9 : i32
      %mul3A_299 = vector.broadcast %mul3A_298 : i32 to vector<16xi32>
      %mul3A_300 = arith.muli %and3A_285, %mul3A_299 : vector<16xi32>
      %add3A_301 = arith.addi %mul3A_297, %mul3A_300 : vector<16xi32>
      %mul3A_302 = arith.constant 3 : i32
      %mul3A_303 = vector.broadcast %mul3A_302 : i32 to vector<16xi32>
      %mul3A_304 = arith.muli %and3A_291, %mul3A_303 : vector<16xi32>
      %add3A_305 = arith.addi %add3A_301, %mul3A_304 : vector<16xi32>
      %add3A_306 = arith.addi %add3A_305, %shift_right_logical3A_294 : vector<16xi32>
      %mul3A_307 = arith.constant 81 : i32
      %mul3A_308 = vector.broadcast %mul3A_307 : i32 to vector<16xi32>
      %mul3A_309 = arith.muli %add3A_271, %mul3A_308 : vector<16xi32>
      %add3A_310 = arith.addi %mul3A_309, %add3A_306 : vector<16xi32>
      %swap3A_311 = arith.constant 0 : i32
      %swap3A_312 = arith.index_cast %swap3A_311 : i32 to index
      %swap3A_313 = arith.constant 32 : index
      %swap3A_314 = tpu.vector_load %arg8[%swap3A_312, %swap3A_313] {strides = array<i32>} : memref<2x80xi32, #tpu.memory_space<vmem>>, vector<1x16xi32>,
      %swap3A_315 = vector.shape_cast %swap3A_314 : vector<1x16xi32> to vector<16xi32>
      %swap3A_316 = vector.shape_cast %add3A_310 : vector<16xi32> to vector<1x16xi32>
      tpu.vector_store %arg8[%swap3A_312, %swap3A_313], %swap3A_316 {strides = array<i32>} : memref<2x80xi32, #tpu.memory_space<vmem>>, vector<1x16xi32>,
      %get3A_317 = arith.constant 0 : i32
      %get3A_318 = arith.index_cast %get3A_317 : i32 to index
      %get3A_319 = arith.constant 48 : index
      %get3A_320 = tpu.vector_load %arg6[%get3A_318, %get3A_319] {strides = array<i32>} : memref<2x80xi32, #tpu.memory_space<vmem>>, vector<1x16xi32>,
      %get3A_321 = vector.shape_cast %get3A_320 : vector<1x16xi32> to vector<16xi32>
      %and3A_322 = arith.constant 255 : i32
      %and3A_323 = vector.broadcast %and3A_322 : i32 to vector<16xi32>
      %and3A_324 = arith.andi %get3A_321, %and3A_323 : vector<16xi32>
      %shift_right_logical3A_325 = arith.constant 8 : i32
      %shift_right_logical3A_326 = vector.broadcast %shift_right_logical3A_325 : i32 to vector<16xi32>
      %shift_right_logical3A_327 = arith.shrui %get3A_321, %shift_right_logical3A_326 : vector<16xi32>
      %and3A_328 = arith.constant 255 : i32
      %and3A_329 = vector.broadcast %and3A_328 : i32 to vector<16xi32>
      %and3A_330 = arith.andi %shift_right_logical3A_327, %and3A_329 : vector<16xi32>
      %shift_right_logical3A_331 = arith.constant 16 : i32
      %shift_right_logical3A_332 = vector.broadcast %shift_right_logical3A_331 : i32 to vector<16xi32>
      %shift_right_logical3A_333 = arith.shrui %get3A_321, %shift_right_logical3A_332 : vector<16xi32>
      %and3A_334 = arith.constant 255 : i32
      %and3A_335 = vector.broadcast %and3A_334 : i32 to vector<16xi32>
      %and3A_336 = arith.andi %shift_right_logical3A_333, %and3A_335 : vector<16xi32>
      %shift_right_logical3A_337 = arith.constant 24 : i32
      %shift_right_logical3A_338 = vector.broadcast %shift_right_logical3A_337 : i32 to vector<16xi32>
      %shift_right_logical3A_339 = arith.shrui %get3A_321, %shift_right_logical3A_338 : vector<16xi32>
      %mul3A_340 = arith.constant 27 : i32
      %mul3A_341 = vector.broadcast %mul3A_340 : i32 to vector<16xi32>
      %mul3A_342 = arith.muli %and3A_324, %mul3A_341 : vector<16xi32>
      %mul3A_343 = arith.constant 9 : i32
      %mul3A_344 = vector.broadcast %mul3A_343 : i32 to vector<16xi32>
      %mul3A_345 = arith.muli %and3A_330, %mul3A_344 : vector<16xi32>
      %add3A_346 = arith.addi %mul3A_342, %mul3A_345 : vector<16xi32>
      %mul3A_347 = arith.constant 3 : i32
      %mul3A_348 = vector.broadcast %mul3A_347 : i32 to vector<16xi32>
      %mul3A_349 = arith.muli %and3A_336, %mul3A_348 : vector<16xi32>
      %add3A_350 = arith.addi %add3A_346, %mul3A_349 : vector<16xi32>
      %add3A_351 = arith.addi %add3A_350, %shift_right_logical3A_339 : vector<16xi32>
      %get3A_352 = arith.constant 0 : i32
      %get3A_353 = arith.index_cast %get3A_352 : i32 to index
      %get3A_354 = arith.constant 48 : index
      %get3A_355 = tpu.vector_load %arg7[%get3A_353, %get3A_354] {strides = array<i32>} : memref<2x80xi32, #tpu.memory_space<vmem>>, vector<1x16xi32>,
      %get3A_356 = vector.shape_cast %get3A_355 : vector<1x16xi32> to vector<16xi32>
      %and3A_357 = arith.constant 255 : i32
      %and3A_358 = vector.broadcast %and3A_357 : i32 to vector<16xi32>
      %and3A_359 = arith.andi %get3A_356, %and3A_358 : vector<16xi32>
      %shift_right_logical3A_360 = arith.constant 8 : i32
      %shift_right_logical3A_361 = vector.broadcast %shift_right_logical3A_360 : i32 to vector<16xi32>
      %shift_right_logical3A_362 = arith.shrui %get3A_356, %shift_right_logical3A_361 : vector<16xi32>
      %and3A_363 = arith.constant 255 : i32
      %and3A_364 = vector.broadcast %and3A_363 : i32 to vector<16xi32>
      %and3A_365 = arith.andi %shift_right_logical3A_362, %and3A_364 : vector<16xi32>
      %shift_right_logical3A_366 = arith.constant 16 : i32
      %shift_right_logical3A_367 = vector.broadcast %shift_right_logical3A_366 : i32 to vector<16xi32>
      %shift_right_logical3A_368 = arith.shrui %get3A_356, %shift_right_logical3A_367 : vector<16xi32>
      %and3A_369 = arith.constant 255 : i32
      %and3A_370 = vector.broadcast %and3A_369 : i32 to vector<16xi32>
      %and3A_371 = arith.andi %shift_right_logical3A_368, %and3A_370 : vector<16xi32>
      %shift_right_logical3A_372 = arith.constant 24 : i32
      %shift_right_logical3A_373 = vector.broadcast %shift_right_logical3A_372 : i32 to vector<16xi32>
      %shift_right_logical3A_374 = arith.shrui %get3A_356, %shift_right_logical3A_373 : vector<16xi32>
      %mul3A_375 = arith.constant 27 : i32
      %mul3A_376 = vector.broadcast %mul3A_375 : i32 to vector<16xi32>
      %mul3A_377 = arith.muli %and3A_359, %mul3A_376 : vector<16xi32>
      %mul3A_378 = arith.constant 9 : i32
      %mul3A_379 = vector.broadcast %mul3A_378 : i32 to vector<16xi32>
      %mul3A_380 = arith.muli %and3A_365, %mul3A_379 : vector<16xi32>
      %add3A_381 = arith.addi %mul3A_377, %mul3A_380 : vector<16xi32>
      %mul3A_382 = arith.constant 3 : i32
      %mul3A_383 = vector.broadcast %mul3A_382 : i32 to vector<16xi32>
      %mul3A_384 = arith.muli %and3A_371, %mul3A_383 : vector<16xi32>
      %add3A_385 = arith.addi %add3A_381, %mul3A_384 : vector<16xi32>
      %add3A_386 = arith.addi %add3A_385, %shift_right_logical3A_374 : vector<16xi32>
      %mul3A_387 = arith.constant 81 : i32
      %mul3A_388 = vector.broadcast %mul3A_387 : i32 to vector<16xi32>
      %mul3A_389 = arith.muli %add3A_351, %mul3A_388 : vector<16xi32>
      %add3A_390 = arith.addi %mul3A_389, %add3A_386 : vector<16xi32>
      %swap3A_391 = arith.constant 0 : i32
      %swap3A_392 = arith.index_cast %swap3A_391 : i32 to index
      %swap3A_393 = arith.constant 48 : index
      %swap3A_394 = tpu.vector_load %arg8[%swap3A_392, %swap3A_393] {strides = array<i32>} : memref<2x80xi32, #tpu.memory_space<vmem>>, vector<1x16xi32>,
      %swap3A_395 = vector.shape_cast %swap3A_394 : vector<1x16xi32> to vector<16xi32>
      %swap3A_396 = vector.shape_cast %add3A_390 : vector<16xi32> to vector<1x16xi32>
      tpu.vector_store %arg8[%swap3A_392, %swap3A_393], %swap3A_396 {strides = array<i32>} : memref<2x80xi32, #tpu.memory_space<vmem>>, vector<1x16xi32>,
      %get3A_397 = arith.constant 0 : i32
      %get3A_398 = arith.index_cast %get3A_397 : i32 to index
      %get3A_399 = arith.constant 64 : index
      %get3A_400 = tpu.vector_load %arg6[%get3A_398, %get3A_399] {strides = array<i32>} : memref<2x80xi32, #tpu.memory_space<vmem>>, vector<1x16xi32>,
      %get3A_401 = vector.shape_cast %get3A_400 : vector<1x16xi32> to vector<16xi32>
      %and3A_402 = arith.constant 255 : i32
      %and3A_403 = vector.broadcast %and3A_402 : i32 to vector<16xi32>
      %and3A_404 = arith.andi %get3A_401, %and3A_403 : vector<16xi32>
      %shift_right_logical3A_405 = arith.constant 8 : i32
      %shift_right_logical3A_406 = vector.broadcast %shift_right_logical3A_405 : i32 to vector<16xi32>
      %shift_right_logical3A_407 = arith.shrui %get3A_401, %shift_right_logical3A_406 : vector<16xi32>
      %and3A_408 = arith.constant 255 : i32
      %and3A_409 = vector.broadcast %and3A_408 : i32 to vector<16xi32>
      %and3A_410 = arith.andi %shift_right_logical3A_407, %and3A_409 : vector<16xi32>
      %shift_right_logical3A_411 = arith.constant 16 : i32
      %shift_right_logical3A_412 = vector.broadcast %shift_right_logical3A_411 : i32 to vector<16xi32>
      %shift_right_logical3A_413 = arith.shrui %get3A_401, %shift_right_logical3A_412 : vector<16xi32>
      %and3A_414 = arith.constant 255 : i32
      %and3A_415 = vector.broadcast %and3A_414 : i32 to vector<16xi32>
      %and3A_416 = arith.andi %shift_right_logical3A_413, %and3A_415 : vector<16xi32>
      %shift_right_logical3A_417 = arith.constant 24 : i32
      %shift_right_logical3A_418 = vector.broadcast %shift_right_logical3A_417 : i32 to vector<16xi32>
      %shift_right_logical3A_419 = arith.shrui %get3A_401, %shift_right_logical3A_418 : vector<16xi32>
      %mul3A_420 = arith.constant 27 : i32
      %mul3A_421 = vector.broadcast %mul3A_420 : i32 to vector<16xi32>
      %mul3A_422 = arith.muli %and3A_404, %mul3A_421 : vector<16xi32>
      %mul3A_423 = arith.constant 9 : i32
      %mul3A_424 = vector.broadcast %mul3A_423 : i32 to vector<16xi32>
      %mul3A_425 = arith.muli %and3A_410, %mul3A_424 : vector<16xi32>
      %add3A_426 = arith.addi %mul3A_422, %mul3A_425 : vector<16xi32>
      %mul3A_427 = arith.constant 3 : i32
      %mul3A_428 = vector.broadcast %mul3A_427 : i32 to vector<16xi32>
      %mul3A_429 = arith.muli %and3A_416, %mul3A_428 : vector<16xi32>
      %add3A_430 = arith.addi %add3A_426, %mul3A_429 : vector<16xi32>
      %add3A_431 = arith.addi %add3A_430, %shift_right_logical3A_419 : vector<16xi32>
      %get3A_432 = arith.constant 0 : i32
      %get3A_433 = arith.index_cast %get3A_432 : i32 to index
      %get3A_434 = arith.constant 64 : index
      %get3A_435 = tpu.vector_load %arg7[%get3A_433, %get3A_434] {strides = array<i32>} : memref<2x80xi32, #tpu.memory_space<vmem>>, vector<1x16xi32>,
      %get3A_436 = vector.shape_cast %get3A_435 : vector<1x16xi32> to vector<16xi32>
      %and3A_437 = arith.constant 255 : i32
      %and3A_438 = vector.broadcast %and3A_437 : i32 to vector<16xi32>
      %and3A_439 = arith.andi %get3A_436, %and3A_438 : vector<16xi32>
      %shift_right_logical3A_440 = arith.constant 8 : i32
      %shift_right_logical3A_441 = vector.broadcast %shift_right_logical3A_440 : i32 to vector<16xi32>
      %shift_right_logical3A_442 = arith.shrui %get3A_436, %shift_right_logical3A_441 : vector<16xi32>
      %and3A_443 = arith.constant 255 : i32
      %and3A_444 = vector.broadcast %and3A_443 : i32 to vector<16xi32>
      %and3A_445 = arith.andi %shift_right_logical3A_442, %and3A_444 : vector<16xi32>
      %shift_right_logical3A_446 = arith.constant 16 : i32
      %shift_right_logical3A_447 = vector.broadcast %shift_right_logical3A_446 : i32 to vector<16xi32>
      %shift_right_logical3A_448 = arith.shrui %get3A_436, %shift_right_logical3A_447 : vector<16xi32>
      %and3A_449 = arith.constant 255 : i32
      %and3A_450 = vector.broadcast %and3A_449 : i32 to vector<16xi32>
      %and3A_451 = arith.andi %shift_right_logical3A_448, %and3A_450 : vector<16xi32>
      %shift_right_logical3A_452 = arith.constant 24 : i32
      %shift_right_logical3A_453 = vector.broadcast %shift_right_logical3A_452 : i32 to vector<16xi32>
      %shift_right_logical3A_454 = arith.shrui %get3A_436, %shift_right_logical3A_453 : vector<16xi32>
      %mul3A_455 = arith.constant 27 : i32
      %mul3A_456 = vector.broadcast %mul3A_455 : i32 to vector<16xi32>
      %mul3A_457 = arith.muli %and3A_439, %mul3A_456 : vector<16xi32>
      %mul3A_458 = arith.constant 9 : i32
      %mul3A_459 = vector.broadcast %mul3A_458 : i32 to vector<16xi32>
      %mul3A_460 = arith.muli %and3A_445, %mul3A_459 : vector<16xi32>
      %add3A_461 = arith.addi %mul3A_457, %mul3A_460 : vector<16xi32>
      %mul3A_462 = arith.constant 3 : i32
      %mul3A_463 = vector.broadcast %mul3A_462 : i32 to vector<16xi32>
      %mul3A_464 = arith.muli %and3A_451, %mul3A_463 : vector<16xi32>
      %add3A_465 = arith.addi %add3A_461, %mul3A_464 : vector<16xi32>
      %add3A_466 = arith.addi %add3A_465, %shift_right_logical3A_454 : vector<16xi32>
      %mul3A_467 = arith.constant 81 : i32
      %mul3A_468 = vector.broadcast %mul3A_467 : i32 to vector<16xi32>
      %mul3A_469 = arith.muli %add3A_431, %mul3A_468 : vector<16xi32>
      %add3A_470 = arith.addi %mul3A_469, %add3A_466 : vector<16xi32>
      %swap3A_471 = arith.constant 0 : i32
      %swap3A_472 = arith.index_cast %swap3A_471 : i32 to index
      %swap3A_473 = arith.constant 64 : index
      %swap3A_474 = tpu.vector_load %arg8[%swap3A_472, %swap3A_473] {strides = array<i32>} : memref<2x80xi32, #tpu.memory_space<vmem>>, vector<1x16xi32>,
      %swap3A_475 = vector.shape_cast %swap3A_474 : vector<1x16xi32> to vector<16xi32>
      %swap3A_476 = vector.shape_cast %add3A_470 : vector<16xi32> to vector<1x16xi32>
      tpu.vector_store %arg8[%swap3A_472, %swap3A_473], %swap3A_476 {strides = array<i32>} : memref<2x80xi32, #tpu.memory_space<vmem>>, vector<1x16xi32>,
      %gt3A = arith.constant 0 : i32
      %gt3A_477 = arith.cmpi sgt, %scan3A_56, %gt3A : i32
      %convert_element_type3A = arith.extui %gt3A_477 : i1 to i32
      %cond3A = arith.constant 0 : i32
      %cond3A_478 = arith.cmpi ne, %convert_element_type3A, %cond3A : i32
      scf.if %cond3A_478 {
        %dma_wait3A_1005 = arith.constant 0 : i32
        %dma_wait3A_1006 = arith.constant 0 : i32
        %dma_wait3A_1007 = arith.constant 0 : i32
        %dma_wait3A_1008 = tpu.memref_slice %arg9[%dma_wait3A_1005, %dma_wait3A_1006, %dma_wait3A_1007] : memref<2x80x512xf32, #tpu.memory_space<vmem>> -> memref<1x80x512xf32, #tpu.memory_space<vmem>>
        %dma_wait3A_1009 = tpu.memref_squeeze %dma_wait3A_1008 : memref<1x80x512xf32, #tpu.memory_space<vmem>> -> memref<80x512xf32, #tpu.memory_space<vmem>>
        %dma_wait3A_1010 = arith.constant 0 : i32
        %dma_wait3A_1011 = arith.constant 0 : i32
        %dma_wait3A_1012 = tpu.memref_slice %arg5[%dma_wait3A_1010, %dma_wait3A_1011] : memref<102400x512xf32, #tpu.memory_space<hbm>> -> memref<80x512xf32, #tpu.memory_space<hbm>>
        %dma_wait3A_1013 = arith.constant 0 : i32
        %dma_wait3A_1014 = arith.constant 0 : i32
        %dma_wait3A_1015 = tpu.memref_slice %arg5[%dma_wait3A_1013, %dma_wait3A_1014] : memref<102400x512xf32, #tpu.memory_space<hbm>> -> memref<80x512xf32, #tpu.memory_space<hbm>>
        %dma_wait3A_1016 = arith.constant 0 : i32
        %dma_wait3A_1017 = arith.constant 0 : i32
        %dma_wait3A_1018 = tpu.memref_slice %arg9[%dma_wait3A_1005, %dma_wait3A_1016, %dma_wait3A_1017] : memref<2x80x512xf32, #tpu.memory_space<vmem>> -> memref<1x80x512xf32, #tpu.memory_space<vmem>>
        %dma_wait3A_1019 = tpu.memref_squeeze %dma_wait3A_1018 : memref<1x80x512xf32, #tpu.memory_space<vmem>> -> memref<80x512xf32, #tpu.memory_space<vmem>>
        tpu.wait_dma2 semaphore(%arg14 : memref<!tpu.dma_semaphore, #tpu.memory_space<semaphore_mem>>) src(%dma_wait3A_1019 : memref<80x512xf32, #tpu.memory_space<vmem>>) dst(%dma_wait3A_1015 : memref<80x512xf32, #tpu.memory_space<hbm>>)
      } else {
      }
      %dma_start3A_479 = arith.constant 0 : i32
      %dma_start3A_480 = arith.constant 0 : i32
      %dma_start3A_481 = arith.constant 0 : i32
      %dma_start3A_482 = arith.constant 0 : i32
      %dma_start3A_483 = tpu.memref_slice %arg9[%dma_start3A_480, %dma_start3A_481, %dma_start3A_482] : memref<2x80x512xf32, #tpu.memory_space<vmem>> -> memref<1x80x512xf32, #tpu.memory_space<vmem>>
      %dma_start3A_484 = tpu.memref_squeeze %dma_start3A_483 : memref<1x80x512xf32, #tpu.memory_space<vmem>> -> memref<80x512xf32, #tpu.memory_space<vmem>>
      %dma_start3A_485 = arith.constant 0 : i32
      %dma_start3A_486 = tpu.memref_slice %arg8[%dma_start3A_479, %dma_start3A_485] : memref<2x80xi32, #tpu.memory_space<vmem>> -> memref<1x80xi32, #tpu.memory_space<vmem>>
      %dma_start3A_487 = tpu.memref_squeeze %dma_start3A_486 : memref<1x80xi32, #tpu.memory_space<vmem>> -> memref<80xi32, #tpu.memory_space<vmem>>
      %dma_start3A_488 = arith.constant 0 : i32
      %dma_start3A_489 = arith.constant 0 : i32
      %dma_start3A_490 = tpu.memref_slice %arg4[%dma_start3A_488, %dma_start3A_489] : memref<6561x512xf32, #tpu.memory_space<hbm>> -> memref<6561x512xf32, #tpu.memory_space<hbm>>
      tpu.enqueue_indirect_dma source(%dma_start3A_490 : memref<6561x512xf32, #tpu.memory_space<hbm>>) target(%dma_start3A_484 : memref<80x512xf32, #tpu.memory_space<vmem>>) offsets(%dma_start3A_487 : memref<80xi32, #tpu.memory_space<vmem>>) semaphore(%arg12 : memref<!tpu.dma_semaphore, #tpu.memory_space<semaphore_mem>>)
      %add3A_491 = arith.constant 1 : i32
      %add3A_492 = arith.addi %mul3A_58, %add3A_491 : i32
      %lt3A = arith.constant 40 : i32
      %lt3A_493 = arith.cmpi slt, %add3A_492, %lt3A : i32
      %convert_element_type3A_494 = arith.extui %lt3A_493 : i1 to i32
      %cond3A_495 = arith.constant 0 : i32
      %cond3A_496 = arith.cmpi ne, %convert_element_type3A_494, %cond3A_495 : i32
      scf.if %cond3A_496 {
        %add3A_1005 = arith.constant 1 : i32
        %add3A_1006 = arith.addi %mul3A_58, %add3A_1005 : i32
        %mul3A_1007 = arith.constant 80 : i32
        %mul3A_1008 = arith.muli %add3A_1006, %mul3A_1007 : i32
        %add3A_1009 = arith.addi %mul3A_2, %mul3A_1008 : i32
        %multiple_of3A_1010 = tpu.assume_multiple %add3A_1009, 80 : i32
        %dma_start3A_1011 = arith.constant 1 : i32
        %dma_start3A_1012 = arith.constant 0 : i32
        %dma_start3A_1013 = tpu.memref_slice %arg6[%dma_start3A_1011, %dma_start3A_1012] : memref<2x80xi32, #tpu.memory_space<vmem>> -> memref<1x80xi32, #tpu.memory_space<vmem>>
        %dma_start3A_1014 = tpu.memref_squeeze %dma_start3A_1013 : memref<1x80xi32, #tpu.memory_space<vmem>> -> memref<80xi32, #tpu.memory_space<vmem>>
        %dma_start3A_1015 = tpu.memref_slice %arg2[%multiple_of3A_1010] : memref<102400xi32, #tpu.memory_space<hbm>> -> memref<80xi32, #tpu.memory_space<hbm>>
        %dma_start3A_1016 = arith.constant 0 : i32
        %dma_start3A_1017 = tpu.memref_slice %arg6[%dma_start3A_1011, %dma_start3A_1016] : memref<2x80xi32, #tpu.memory_space<vmem>> -> memref<1x80xi32, #tpu.memory_space<vmem>>
        %dma_start3A_1018 = tpu.memref_squeeze %dma_start3A_1017 : memref<1x80xi32, #tpu.memory_space<vmem>> -> memref<80xi32, #tpu.memory_space<vmem>>
        %dma_start3A_1019 = tpu.memref_slice %arg2[%multiple_of3A_1010] : memref<102400xi32, #tpu.memory_space<hbm>> -> memref<80xi32, #tpu.memory_space<hbm>>
        tpu.enqueue_dma source(%dma_start3A_1019 : memref<80xi32, #tpu.memory_space<hbm>>) target(%dma_start3A_1018 : memref<80xi32, #tpu.memory_space<vmem>>) target_semaphore(%arg11 : memref<!tpu.dma_semaphore, #tpu.memory_space<semaphore_mem>>)
        %dma_start3A_1020 = arith.constant 1 : i32
        %dma_start3A_1021 = arith.constant 0 : i32
        %dma_start3A_1022 = tpu.memref_slice %arg7[%dma_start3A_1020, %dma_start3A_1021] : memref<2x80xi32, #tpu.memory_space<vmem>> -> memref<1x80xi32, #tpu.memory_space<vmem>>
        %dma_start3A_1023 = tpu.memref_squeeze %dma_start3A_1022 : memref<1x80xi32, #tpu.memory_space<vmem>> -> memref<80xi32, #tpu.memory_space<vmem>>
        %dma_start3A_1024 = tpu.memref_slice %arg3[%multiple_of3A_1010] : memref<102400xi32, #tpu.memory_space<hbm>> -> memref<80xi32, #tpu.memory_space<hbm>>
        %dma_start3A_1025 = arith.constant 0 : i32
        %dma_start3A_1026 = tpu.memref_slice %arg7[%dma_start3A_1020, %dma_start3A_1025] : memref<2x80xi32, #tpu.memory_space<vmem>> -> memref<1x80xi32, #tpu.memory_space<vmem>>
        %dma_start3A_1027 = tpu.memref_squeeze %dma_start3A_1026 : memref<1x80xi32, #tpu.memory_space<vmem>> -> memref<80xi32, #tpu.memory_space<vmem>>
        %dma_start3A_1028 = tpu.memref_slice %arg3[%multiple_of3A_1010] : memref<102400xi32, #tpu.memory_space<hbm>> -> memref<80xi32, #tpu.memory_space<hbm>>
        tpu.enqueue_dma source(%dma_start3A_1028 : memref<80xi32, #tpu.memory_space<hbm>>) target(%dma_start3A_1027 : memref<80xi32, #tpu.memory_space<vmem>>) target_semaphore(%arg11 : memref<!tpu.dma_semaphore, #tpu.memory_space<semaphore_mem>>)
      } else {
      }
      %dma_wait3A_497 = arith.constant 0 : i32
      %dma_wait3A_498 = arith.constant 0 : i32
      %dma_wait3A_499 = arith.constant 0 : i32
      %dma_wait3A_500 = arith.constant 0 : i32
      %dma_wait3A_501 = tpu.memref_slice %arg9[%dma_wait3A_498, %dma_wait3A_499, %dma_wait3A_500] : memref<2x80x512xf32, #tpu.memory_space<vmem>> -> memref<1x80x512xf32, #tpu.memory_space<vmem>>
      %dma_wait3A_502 = tpu.memref_squeeze %dma_wait3A_501 : memref<1x80x512xf32, #tpu.memory_space<vmem>> -> memref<80x512xf32, #tpu.memory_space<vmem>>
      %dma_wait3A_503 = arith.constant 0 : i32
      %dma_wait3A_504 = tpu.memref_slice %arg8[%dma_wait3A_497, %dma_wait3A_503] : memref<2x80xi32, #tpu.memory_space<vmem>> -> memref<1x80xi32, #tpu.memory_space<vmem>>
      %dma_wait3A_505 = tpu.memref_squeeze %dma_wait3A_504 : memref<1x80xi32, #tpu.memory_space<vmem>> -> memref<80xi32, #tpu.memory_space<vmem>>
      %dma_wait3A_506 = arith.constant 0 : i32
      %dma_wait3A_507 = arith.constant 0 : i32
      %dma_wait3A_508 = tpu.memref_slice %arg4[%dma_wait3A_506, %dma_wait3A_507] : memref<6561x512xf32, #tpu.memory_space<hbm>> -> memref<6561x512xf32, #tpu.memory_space<hbm>>
      tpu.wait_indirect_dma semaphore(%arg12 : memref<!tpu.dma_semaphore, #tpu.memory_space<semaphore_mem>>) src(%dma_wait3A_508 : memref<6561x512xf32, #tpu.memory_space<hbm>>) dst(%dma_wait3A_502 : memref<80x512xf32, #tpu.memory_space<vmem>>)
      %mul3A_509 = arith.constant 80 : i32
      %mul3A_510 = arith.muli %mul3A_58, %mul3A_509 : i32
      %add3A_511 = arith.addi %mul3A_2, %mul3A_510 : i32
      %multiple_of3A_512 = tpu.assume_multiple %add3A_511, 80 : i32
      %dma_start3A_513 = arith.constant 0 : i32
      %dma_start3A_514 = arith.constant 0 : i32
      %dma_start3A_515 = arith.constant 0 : i32
      %dma_start3A_516 = tpu.memref_slice %arg9[%dma_start3A_513, %dma_start3A_514, %dma_start3A_515] : memref<2x80x512xf32, #tpu.memory_space<vmem>> -> memref<1x80x512xf32, #tpu.memory_space<vmem>>
      %dma_start3A_517 = tpu.memref_squeeze %dma_start3A_516 : memref<1x80x512xf32, #tpu.memory_space<vmem>> -> memref<80x512xf32, #tpu.memory_space<vmem>>
      %dma_start3A_518 = arith.constant 0 : i32
      %dma_start3A_519 = tpu.memref_slice %arg5[%multiple_of3A_512, %dma_start3A_518] : memref<102400x512xf32, #tpu.memory_space<hbm>> -> memref<80x512xf32, #tpu.memory_space<hbm>>
      %dma_start3A_520 = arith.constant 0 : i32
      %dma_start3A_521 = tpu.memref_slice %arg5[%multiple_of3A_512, %dma_start3A_520] : memref<102400x512xf32, #tpu.memory_space<hbm>> -> memref<80x512xf32, #tpu.memory_space<hbm>>
      %dma_start3A_522 = arith.constant 0 : i32
      %dma_start3A_523 = arith.constant 0 : i32
      %dma_start3A_524 = tpu.memref_slice %arg9[%dma_start3A_513, %dma_start3A_522, %dma_start3A_523] : memref<2x80x512xf32, #tpu.memory_space<vmem>> -> memref<1x80x512xf32, #tpu.memory_space<vmem>>
      %dma_start3A_525 = tpu.memref_squeeze %dma_start3A_524 : memref<1x80x512xf32, #tpu.memory_space<vmem>> -> memref<80x512xf32, #tpu.memory_space<vmem>>
      tpu.enqueue_dma source(%dma_start3A_525 : memref<80x512xf32, #tpu.memory_space<vmem>>) target(%dma_start3A_521 : memref<80x512xf32, #tpu.memory_space<hbm>>) target_semaphore(%arg14 : memref<!tpu.dma_semaphore, #tpu.memory_space<semaphore_mem>>)
      %mul3A_526 = arith.constant 2 : i32
      %mul3A_527 = arith.muli %mul3A_526, %scan3A_56 : i32
      %add3A_528 = arith.constant 1 : i32
      %add3A_529 = arith.addi %mul3A_527, %add3A_528 : i32
      %dma_wait3A_530 = arith.constant 1 : i32
      %dma_wait3A_531 = arith.constant 0 : i32
      %dma_wait3A_532 = tpu.memref_slice %arg6[%dma_wait3A_530, %dma_wait3A_531] : memref<2x80xi32, #tpu.memory_space<vmem>> -> memref<1x80xi32, #tpu.memory_space<vmem>>
      %dma_wait3A_533 = tpu.memref_squeeze %dma_wait3A_532 : memref<1x80xi32, #tpu.memory_space<vmem>> -> memref<80xi32, #tpu.memory_space<vmem>>
      %dma_wait3A_534 = arith.constant 0 : i32
      %dma_wait3A_535 = tpu.memref_slice %arg2[%dma_wait3A_534] : memref<102400xi32, #tpu.memory_space<hbm>> -> memref<80xi32, #tpu.memory_space<hbm>>
      %dma_wait3A_536 = arith.constant 0 : i32
      %dma_wait3A_537 = tpu.memref_slice %arg6[%dma_wait3A_530, %dma_wait3A_536] : memref<2x80xi32, #tpu.memory_space<vmem>> -> memref<1x80xi32, #tpu.memory_space<vmem>>
      %dma_wait3A_538 = tpu.memref_squeeze %dma_wait3A_537 : memref<1x80xi32, #tpu.memory_space<vmem>> -> memref<80xi32, #tpu.memory_space<vmem>>
      %dma_wait3A_539 = arith.constant 0 : i32
      %dma_wait3A_540 = tpu.memref_slice %arg2[%dma_wait3A_539] : memref<102400xi32, #tpu.memory_space<hbm>> -> memref<80xi32, #tpu.memory_space<hbm>>
      tpu.wait_dma2 semaphore(%arg11 : memref<!tpu.dma_semaphore, #tpu.memory_space<semaphore_mem>>) src(%dma_wait3A_540 : memref<80xi32, #tpu.memory_space<hbm>>) dst(%dma_wait3A_538 : memref<80xi32, #tpu.memory_space<vmem>>)
      %dma_wait3A_541 = arith.constant 1 : i32
      %dma_wait3A_542 = arith.constant 0 : i32
      %dma_wait3A_543 = tpu.memref_slice %arg7[%dma_wait3A_541, %dma_wait3A_542] : memref<2x80xi32, #tpu.memory_space<vmem>> -> memref<1x80xi32, #tpu.memory_space<vmem>>
      %dma_wait3A_544 = tpu.memref_squeeze %dma_wait3A_543 : memref<1x80xi32, #tpu.memory_space<vmem>> -> memref<80xi32, #tpu.memory_space<vmem>>
      %dma_wait3A_545 = arith.constant 0 : i32
      %dma_wait3A_546 = tpu.memref_slice %arg3[%dma_wait3A_545] : memref<102400xi32, #tpu.memory_space<hbm>> -> memref<80xi32, #tpu.memory_space<hbm>>
      %dma_wait3A_547 = arith.constant 0 : i32
      %dma_wait3A_548 = tpu.memref_slice %arg7[%dma_wait3A_541, %dma_wait3A_547] : memref<2x80xi32, #tpu.memory_space<vmem>> -> memref<1x80xi32, #tpu.memory_space<vmem>>
      %dma_wait3A_549 = tpu.memref_squeeze %dma_wait3A_548 : memref<1x80xi32, #tpu.memory_space<vmem>> -> memref<80xi32, #tpu.memory_space<vmem>>
      %dma_wait3A_550 = arith.constant 0 : i32
      %dma_wait3A_551 = tpu.memref_slice %arg3[%dma_wait3A_550] : memref<102400xi32, #tpu.memory_space<hbm>> -> memref<80xi32, #tpu.memory_space<hbm>>
      tpu.wait_dma2 semaphore(%arg11 : memref<!tpu.dma_semaphore, #tpu.memory_space<semaphore_mem>>) src(%dma_wait3A_551 : memref<80xi32, #tpu.memory_space<hbm>>) dst(%dma_wait3A_549 : memref<80xi32, #tpu.memory_space<vmem>>)
      %get3A_552 = arith.constant 1 : i32
      %get3A_553 = arith.index_cast %get3A_552 : i32 to index
      %get3A_554 = arith.constant 0 : index
      %get3A_555 = tpu.vector_load %arg6[%get3A_553, %get3A_554] {strides = array<i32>} : memref<2x80xi32, #tpu.memory_space<vmem>>, vector<1x16xi32>,
      %get3A_556 = vector.shape_cast %get3A_555 : vector<1x16xi32> to vector<16xi32>
      %and3A_557 = arith.constant 255 : i32
      %and3A_558 = vector.broadcast %and3A_557 : i32 to vector<16xi32>
      %and3A_559 = arith.andi %get3A_556, %and3A_558 : vector<16xi32>
      %shift_right_logical3A_560 = arith.constant 8 : i32
      %shift_right_logical3A_561 = vector.broadcast %shift_right_logical3A_560 : i32 to vector<16xi32>
      %shift_right_logical3A_562 = arith.shrui %get3A_556, %shift_right_logical3A_561 : vector<16xi32>
      %and3A_563 = arith.constant 255 : i32
      %and3A_564 = vector.broadcast %and3A_563 : i32 to vector<16xi32>
      %and3A_565 = arith.andi %shift_right_logical3A_562, %and3A_564 : vector<16xi32>
      %shift_right_logical3A_566 = arith.constant 16 : i32
      %shift_right_logical3A_567 = vector.broadcast %shift_right_logical3A_566 : i32 to vector<16xi32>
      %shift_right_logical3A_568 = arith.shrui %get3A_556, %shift_right_logical3A_567 : vector<16xi32>
      %and3A_569 = arith.constant 255 : i32
      %and3A_570 = vector.broadcast %and3A_569 : i32 to vector<16xi32>
      %and3A_571 = arith.andi %shift_right_logical3A_568, %and3A_570 : vector<16xi32>
      %shift_right_logical3A_572 = arith.constant 24 : i32
      %shift_right_logical3A_573 = vector.broadcast %shift_right_logical3A_572 : i32 to vector<16xi32>
      %shift_right_logical3A_574 = arith.shrui %get3A_556, %shift_right_logical3A_573 : vector<16xi32>
      %mul3A_575 = arith.constant 27 : i32
      %mul3A_576 = vector.broadcast %mul3A_575 : i32 to vector<16xi32>
      %mul3A_577 = arith.muli %and3A_559, %mul3A_576 : vector<16xi32>
      %mul3A_578 = arith.constant 9 : i32
      %mul3A_579 = vector.broadcast %mul3A_578 : i32 to vector<16xi32>
      %mul3A_580 = arith.muli %and3A_565, %mul3A_579 : vector<16xi32>
      %add3A_581 = arith.addi %mul3A_577, %mul3A_580 : vector<16xi32>
      %mul3A_582 = arith.constant 3 : i32
      %mul3A_583 = vector.broadcast %mul3A_582 : i32 to vector<16xi32>
      %mul3A_584 = arith.muli %and3A_571, %mul3A_583 : vector<16xi32>
      %add3A_585 = arith.addi %add3A_581, %mul3A_584 : vector<16xi32>
      %add3A_586 = arith.addi %add3A_585, %shift_right_logical3A_574 : vector<16xi32>
      %get3A_587 = arith.constant 1 : i32
      %get3A_588 = arith.index_cast %get3A_587 : i32 to index
      %get3A_589 = arith.constant 0 : index
      %get3A_590 = tpu.vector_load %arg7[%get3A_588, %get3A_589] {strides = array<i32>} : memref<2x80xi32, #tpu.memory_space<vmem>>, vector<1x16xi32>,
      %get3A_591 = vector.shape_cast %get3A_590 : vector<1x16xi32> to vector<16xi32>
      %and3A_592 = arith.constant 255 : i32
      %and3A_593 = vector.broadcast %and3A_592 : i32 to vector<16xi32>
      %and3A_594 = arith.andi %get3A_591, %and3A_593 : vector<16xi32>
      %shift_right_logical3A_595 = arith.constant 8 : i32
      %shift_right_logical3A_596 = vector.broadcast %shift_right_logical3A_595 : i32 to vector<16xi32>
      %shift_right_logical3A_597 = arith.shrui %get3A_591, %shift_right_logical3A_596 : vector<16xi32>
      %and3A_598 = arith.constant 255 : i32
      %and3A_599 = vector.broadcast %and3A_598 : i32 to vector<16xi32>
      %and3A_600 = arith.andi %shift_right_logical3A_597, %and3A_599 : vector<16xi32>
      %shift_right_logical3A_601 = arith.constant 16 : i32
      %shift_right_logical3A_602 = vector.broadcast %shift_right_logical3A_601 : i32 to vector<16xi32>
      %shift_right_logical3A_603 = arith.shrui %get3A_591, %shift_right_logical3A_602 : vector<16xi32>
      %and3A_604 = arith.constant 255 : i32
      %and3A_605 = vector.broadcast %and3A_604 : i32 to vector<16xi32>
      %and3A_606 = arith.andi %shift_right_logical3A_603, %and3A_605 : vector<16xi32>
      %shift_right_logical3A_607 = arith.constant 24 : i32
      %shift_right_logical3A_608 = vector.broadcast %shift_right_logical3A_607 : i32 to vector<16xi32>
      %shift_right_logical3A_609 = arith.shrui %get3A_591, %shift_right_logical3A_608 : vector<16xi32>
      %mul3A_610 = arith.constant 27 : i32
      %mul3A_611 = vector.broadcast %mul3A_610 : i32 to vector<16xi32>
      %mul3A_612 = arith.muli %and3A_594, %mul3A_611 : vector<16xi32>
      %mul3A_613 = arith.constant 9 : i32
      %mul3A_614 = vector.broadcast %mul3A_613 : i32 to vector<16xi32>
      %mul3A_615 = arith.muli %and3A_600, %mul3A_614 : vector<16xi32>
      %add3A_616 = arith.addi %mul3A_612, %mul3A_615 : vector<16xi32>
      %mul3A_617 = arith.constant 3 : i32
      %mul3A_618 = vector.broadcast %mul3A_617 : i32 to vector<16xi32>
      %mul3A_619 = arith.muli %and3A_606, %mul3A_618 : vector<16xi32>
      %add3A_620 = arith.addi %add3A_616, %mul3A_619 : vector<16xi32>
      %add3A_621 = arith.addi %add3A_620, %shift_right_logical3A_609 : vector<16xi32>
      %mul3A_622 = arith.constant 81 : i32
      %mul3A_623 = vector.broadcast %mul3A_622 : i32 to vector<16xi32>
      %mul3A_624 = arith.muli %add3A_586, %mul3A_623 : vector<16xi32>
      %add3A_625 = arith.addi %mul3A_624, %add3A_621 : vector<16xi32>
      %swap3A_626 = arith.constant 1 : i32
      %swap3A_627 = arith.index_cast %swap3A_626 : i32 to index
      %swap3A_628 = arith.constant 0 : index
      %swap3A_629 = tpu.vector_load %arg8[%swap3A_627, %swap3A_628] {strides = array<i32>} : memref<2x80xi32, #tpu.memory_space<vmem>>, vector<1x16xi32>,
      %swap3A_630 = vector.shape_cast %swap3A_629 : vector<1x16xi32> to vector<16xi32>
      %swap3A_631 = vector.shape_cast %add3A_625 : vector<16xi32> to vector<1x16xi32>
      tpu.vector_store %arg8[%swap3A_627, %swap3A_628], %swap3A_631 {strides = array<i32>} : memref<2x80xi32, #tpu.memory_space<vmem>>, vector<1x16xi32>,
      %get3A_632 = arith.constant 1 : i32
      %get3A_633 = arith.index_cast %get3A_632 : i32 to index
      %get3A_634 = arith.constant 16 : index
      %get3A_635 = tpu.vector_load %arg6[%get3A_633, %get3A_634] {strides = array<i32>} : memref<2x80xi32, #tpu.memory_space<vmem>>, vector<1x16xi32>,
      %get3A_636 = vector.shape_cast %get3A_635 : vector<1x16xi32> to vector<16xi32>
      %and3A_637 = arith.constant 255 : i32
      %and3A_638 = vector.broadcast %and3A_637 : i32 to vector<16xi32>
      %and3A_639 = arith.andi %get3A_636, %and3A_638 : vector<16xi32>
      %shift_right_logical3A_640 = arith.constant 8 : i32
      %shift_right_logical3A_641 = vector.broadcast %shift_right_logical3A_640 : i32 to vector<16xi32>
      %shift_right_logical3A_642 = arith.shrui %get3A_636, %shift_right_logical3A_641 : vector<16xi32>
      %and3A_643 = arith.constant 255 : i32
      %and3A_644 = vector.broadcast %and3A_643 : i32 to vector<16xi32>
      %and3A_645 = arith.andi %shift_right_logical3A_642, %and3A_644 : vector<16xi32>
      %shift_right_logical3A_646 = arith.constant 16 : i32
      %shift_right_logical3A_647 = vector.broadcast %shift_right_logical3A_646 : i32 to vector<16xi32>
      %shift_right_logical3A_648 = arith.shrui %get3A_636, %shift_right_logical3A_647 : vector<16xi32>
      %and3A_649 = arith.constant 255 : i32
      %and3A_650 = vector.broadcast %and3A_649 : i32 to vector<16xi32>
      %and3A_651 = arith.andi %shift_right_logical3A_648, %and3A_650 : vector<16xi32>
      %shift_right_logical3A_652 = arith.constant 24 : i32
      %shift_right_logical3A_653 = vector.broadcast %shift_right_logical3A_652 : i32 to vector<16xi32>
      %shift_right_logical3A_654 = arith.shrui %get3A_636, %shift_right_logical3A_653 : vector<16xi32>
      %mul3A_655 = arith.constant 27 : i32
      %mul3A_656 = vector.broadcast %mul3A_655 : i32 to vector<16xi32>
      %mul3A_657 = arith.muli %and3A_639, %mul3A_656 : vector<16xi32>
      %mul3A_658 = arith.constant 9 : i32
      %mul3A_659 = vector.broadcast %mul3A_658 : i32 to vector<16xi32>
      %mul3A_660 = arith.muli %and3A_645, %mul3A_659 : vector<16xi32>
      %add3A_661 = arith.addi %mul3A_657, %mul3A_660 : vector<16xi32>
      %mul3A_662 = arith.constant 3 : i32
      %mul3A_663 = vector.broadcast %mul3A_662 : i32 to vector<16xi32>
      %mul3A_664 = arith.muli %and3A_651, %mul3A_663 : vector<16xi32>
      %add3A_665 = arith.addi %add3A_661, %mul3A_664 : vector<16xi32>
      %add3A_666 = arith.addi %add3A_665, %shift_right_logical3A_654 : vector<16xi32>
      %get3A_667 = arith.constant 1 : i32
      %get3A_668 = arith.index_cast %get3A_667 : i32 to index
      %get3A_669 = arith.constant 16 : index
      %get3A_670 = tpu.vector_load %arg7[%get3A_668, %get3A_669] {strides = array<i32>} : memref<2x80xi32, #tpu.memory_space<vmem>>, vector<1x16xi32>,
      %get3A_671 = vector.shape_cast %get3A_670 : vector<1x16xi32> to vector<16xi32>
      %and3A_672 = arith.constant 255 : i32
      %and3A_673 = vector.broadcast %and3A_672 : i32 to vector<16xi32>
      %and3A_674 = arith.andi %get3A_671, %and3A_673 : vector<16xi32>
      %shift_right_logical3A_675 = arith.constant 8 : i32
      %shift_right_logical3A_676 = vector.broadcast %shift_right_logical3A_675 : i32 to vector<16xi32>
      %shift_right_logical3A_677 = arith.shrui %get3A_671, %shift_right_logical3A_676 : vector<16xi32>
      %and3A_678 = arith.constant 255 : i32
      %and3A_679 = vector.broadcast %and3A_678 : i32 to vector<16xi32>
      %and3A_680 = arith.andi %shift_right_logical3A_677, %and3A_679 : vector<16xi32>
      %shift_right_logical3A_681 = arith.constant 16 : i32
      %shift_right_logical3A_682 = vector.broadcast %shift_right_logical3A_681 : i32 to vector<16xi32>
      %shift_right_logical3A_683 = arith.shrui %get3A_671, %shift_right_logical3A_682 : vector<16xi32>
      %and3A_684 = arith.constant 255 : i32
      %and3A_685 = vector.broadcast %and3A_684 : i32 to vector<16xi32>
      %and3A_686 = arith.andi %shift_right_logical3A_683, %and3A_685 : vector<16xi32>
      %shift_right_logical3A_687 = arith.constant 24 : i32
      %shift_right_logical3A_688 = vector.broadcast %shift_right_logical3A_687 : i32 to vector<16xi32>
      %shift_right_logical3A_689 = arith.shrui %get3A_671, %shift_right_logical3A_688 : vector<16xi32>
      %mul3A_690 = arith.constant 27 : i32
      %mul3A_691 = vector.broadcast %mul3A_690 : i32 to vector<16xi32>
      %mul3A_692 = arith.muli %and3A_674, %mul3A_691 : vector<16xi32>
      %mul3A_693 = arith.constant 9 : i32
      %mul3A_694 = vector.broadcast %mul3A_693 : i32 to vector<16xi32>
      %mul3A_695 = arith.muli %and3A_680, %mul3A_694 : vector<16xi32>
      %add3A_696 = arith.addi %mul3A_692, %mul3A_695 : vector<16xi32>
      %mul3A_697 = arith.constant 3 : i32
      %mul3A_698 = vector.broadcast %mul3A_697 : i32 to vector<16xi32>
      %mul3A_699 = arith.muli %and3A_686, %mul3A_698 : vector<16xi32>
      %add3A_700 = arith.addi %add3A_696, %mul3A_699 : vector<16xi32>
      %add3A_701 = arith.addi %add3A_700, %shift_right_logical3A_689 : vector<16xi32>
      %mul3A_702 = arith.constant 81 : i32
      %mul3A_703 = vector.broadcast %mul3A_702 : i32 to vector<16xi32>
      %mul3A_704 = arith.muli %add3A_666, %mul3A_703 : vector<16xi32>
      %add3A_705 = arith.addi %mul3A_704, %add3A_701 : vector<16xi32>
      %swap3A_706 = arith.constant 1 : i32
      %swap3A_707 = arith.index_cast %swap3A_706 : i32 to index
      %swap3A_708 = arith.constant 16 : index
      %swap3A_709 = tpu.vector_load %arg8[%swap3A_707, %swap3A_708] {strides = array<i32>} : memref<2x80xi32, #tpu.memory_space<vmem>>, vector<1x16xi32>,
      %swap3A_710 = vector.shape_cast %swap3A_709 : vector<1x16xi32> to vector<16xi32>
      %swap3A_711 = vector.shape_cast %add3A_705 : vector<16xi32> to vector<1x16xi32>
      tpu.vector_store %arg8[%swap3A_707, %swap3A_708], %swap3A_711 {strides = array<i32>} : memref<2x80xi32, #tpu.memory_space<vmem>>, vector<1x16xi32>,
      %get3A_712 = arith.constant 1 : i32
      %get3A_713 = arith.index_cast %get3A_712 : i32 to index
      %get3A_714 = arith.constant 32 : index
      %get3A_715 = tpu.vector_load %arg6[%get3A_713, %get3A_714] {strides = array<i32>} : memref<2x80xi32, #tpu.memory_space<vmem>>, vector<1x16xi32>,
      %get3A_716 = vector.shape_cast %get3A_715 : vector<1x16xi32> to vector<16xi32>
      %and3A_717 = arith.constant 255 : i32
      %and3A_718 = vector.broadcast %and3A_717 : i32 to vector<16xi32>
      %and3A_719 = arith.andi %get3A_716, %and3A_718 : vector<16xi32>
      %shift_right_logical3A_720 = arith.constant 8 : i32
      %shift_right_logical3A_721 = vector.broadcast %shift_right_logical3A_720 : i32 to vector<16xi32>
      %shift_right_logical3A_722 = arith.shrui %get3A_716, %shift_right_logical3A_721 : vector<16xi32>
      %and3A_723 = arith.constant 255 : i32
      %and3A_724 = vector.broadcast %and3A_723 : i32 to vector<16xi32>
      %and3A_725 = arith.andi %shift_right_logical3A_722, %and3A_724 : vector<16xi32>
      %shift_right_logical3A_726 = arith.constant 16 : i32
      %shift_right_logical3A_727 = vector.broadcast %shift_right_logical3A_726 : i32 to vector<16xi32>
      %shift_right_logical3A_728 = arith.shrui %get3A_716, %shift_right_logical3A_727 : vector<16xi32>
      %and3A_729 = arith.constant 255 : i32
      %and3A_730 = vector.broadcast %and3A_729 : i32 to vector<16xi32>
      %and3A_731 = arith.andi %shift_right_logical3A_728, %and3A_730 : vector<16xi32>
      %shift_right_logical3A_732 = arith.constant 24 : i32
      %shift_right_logical3A_733 = vector.broadcast %shift_right_logical3A_732 : i32 to vector<16xi32>
      %shift_right_logical3A_734 = arith.shrui %get3A_716, %shift_right_logical3A_733 : vector<16xi32>
      %mul3A_735 = arith.constant 27 : i32
      %mul3A_736 = vector.broadcast %mul3A_735 : i32 to vector<16xi32>
      %mul3A_737 = arith.muli %and3A_719, %mul3A_736 : vector<16xi32>
      %mul3A_738 = arith.constant 9 : i32
      %mul3A_739 = vector.broadcast %mul3A_738 : i32 to vector<16xi32>
      %mul3A_740 = arith.muli %and3A_725, %mul3A_739 : vector<16xi32>
      %add3A_741 = arith.addi %mul3A_737, %mul3A_740 : vector<16xi32>
      %mul3A_742 = arith.constant 3 : i32
      %mul3A_743 = vector.broadcast %mul3A_742 : i32 to vector<16xi32>
      %mul3A_744 = arith.muli %and3A_731, %mul3A_743 : vector<16xi32>
      %add3A_745 = arith.addi %add3A_741, %mul3A_744 : vector<16xi32>
      %add3A_746 = arith.addi %add3A_745, %shift_right_logical3A_734 : vector<16xi32>
      %get3A_747 = arith.constant 1 : i32
      %get3A_748 = arith.index_cast %get3A_747 : i32 to index
      %get3A_749 = arith.constant 32 : index
      %get3A_750 = tpu.vector_load %arg7[%get3A_748, %get3A_749] {strides = array<i32>} : memref<2x80xi32, #tpu.memory_space<vmem>>, vector<1x16xi32>,
      %get3A_751 = vector.shape_cast %get3A_750 : vector<1x16xi32> to vector<16xi32>
      %and3A_752 = arith.constant 255 : i32
      %and3A_753 = vector.broadcast %and3A_752 : i32 to vector<16xi32>
      %and3A_754 = arith.andi %get3A_751, %and3A_753 : vector<16xi32>
      %shift_right_logical3A_755 = arith.constant 8 : i32
      %shift_right_logical3A_756 = vector.broadcast %shift_right_logical3A_755 : i32 to vector<16xi32>
      %shift_right_logical3A_757 = arith.shrui %get3A_751, %shift_right_logical3A_756 : vector<16xi32>
      %and3A_758 = arith.constant 255 : i32
      %and3A_759 = vector.broadcast %and3A_758 : i32 to vector<16xi32>
      %and3A_760 = arith.andi %shift_right_logical3A_757, %and3A_759 : vector<16xi32>
      %shift_right_logical3A_761 = arith.constant 16 : i32
      %shift_right_logical3A_762 = vector.broadcast %shift_right_logical3A_761 : i32 to vector<16xi32>
      %shift_right_logical3A_763 = arith.shrui %get3A_751, %shift_right_logical3A_762 : vector<16xi32>
      %and3A_764 = arith.constant 255 : i32
      %and3A_765 = vector.broadcast %and3A_764 : i32 to vector<16xi32>
      %and3A_766 = arith.andi %shift_right_logical3A_763, %and3A_765 : vector<16xi32>
      %shift_right_logical3A_767 = arith.constant 24 : i32
      %shift_right_logical3A_768 = vector.broadcast %shift_right_logical3A_767 : i32 to vector<16xi32>
      %shift_right_logical3A_769 = arith.shrui %get3A_751, %shift_right_logical3A_768 : vector<16xi32>
      %mul3A_770 = arith.constant 27 : i32
      %mul3A_771 = vector.broadcast %mul3A_770 : i32 to vector<16xi32>
      %mul3A_772 = arith.muli %and3A_754, %mul3A_771 : vector<16xi32>
      %mul3A_773 = arith.constant 9 : i32
      %mul3A_774 = vector.broadcast %mul3A_773 : i32 to vector<16xi32>
      %mul3A_775 = arith.muli %and3A_760, %mul3A_774 : vector<16xi32>
      %add3A_776 = arith.addi %mul3A_772, %mul3A_775 : vector<16xi32>
      %mul3A_777 = arith.constant 3 : i32
      %mul3A_778 = vector.broadcast %mul3A_777 : i32 to vector<16xi32>
      %mul3A_779 = arith.muli %and3A_766, %mul3A_778 : vector<16xi32>
      %add3A_780 = arith.addi %add3A_776, %mul3A_779 : vector<16xi32>
      %add3A_781 = arith.addi %add3A_780, %shift_right_logical3A_769 : vector<16xi32>
      %mul3A_782 = arith.constant 81 : i32
      %mul3A_783 = vector.broadcast %mul3A_782 : i32 to vector<16xi32>
      %mul3A_784 = arith.muli %add3A_746, %mul3A_783 : vector<16xi32>
      %add3A_785 = arith.addi %mul3A_784, %add3A_781 : vector<16xi32>
      %swap3A_786 = arith.constant 1 : i32
      %swap3A_787 = arith.index_cast %swap3A_786 : i32 to index
      %swap3A_788 = arith.constant 32 : index
      %swap3A_789 = tpu.vector_load %arg8[%swap3A_787, %swap3A_788] {strides = array<i32>} : memref<2x80xi32, #tpu.memory_space<vmem>>, vector<1x16xi32>,
      %swap3A_790 = vector.shape_cast %swap3A_789 : vector<1x16xi32> to vector<16xi32>
      %swap3A_791 = vector.shape_cast %add3A_785 : vector<16xi32> to vector<1x16xi32>
      tpu.vector_store %arg8[%swap3A_787, %swap3A_788], %swap3A_791 {strides = array<i32>} : memref<2x80xi32, #tpu.memory_space<vmem>>, vector<1x16xi32>,
      %get3A_792 = arith.constant 1 : i32
      %get3A_793 = arith.index_cast %get3A_792 : i32 to index
      %get3A_794 = arith.constant 48 : index
      %get3A_795 = tpu.vector_load %arg6[%get3A_793, %get3A_794] {strides = array<i32>} : memref<2x80xi32, #tpu.memory_space<vmem>>, vector<1x16xi32>,
      %get3A_796 = vector.shape_cast %get3A_795 : vector<1x16xi32> to vector<16xi32>
      %and3A_797 = arith.constant 255 : i32
      %and3A_798 = vector.broadcast %and3A_797 : i32 to vector<16xi32>
      %and3A_799 = arith.andi %get3A_796, %and3A_798 : vector<16xi32>
      %shift_right_logical3A_800 = arith.constant 8 : i32
      %shift_right_logical3A_801 = vector.broadcast %shift_right_logical3A_800 : i32 to vector<16xi32>
      %shift_right_logical3A_802 = arith.shrui %get3A_796, %shift_right_logical3A_801 : vector<16xi32>
      %and3A_803 = arith.constant 255 : i32
      %and3A_804 = vector.broadcast %and3A_803 : i32 to vector<16xi32>
      %and3A_805 = arith.andi %shift_right_logical3A_802, %and3A_804 : vector<16xi32>
      %shift_right_logical3A_806 = arith.constant 16 : i32
      %shift_right_logical3A_807 = vector.broadcast %shift_right_logical3A_806 : i32 to vector<16xi32>
      %shift_right_logical3A_808 = arith.shrui %get3A_796, %shift_right_logical3A_807 : vector<16xi32>
      %and3A_809 = arith.constant 255 : i32
      %and3A_810 = vector.broadcast %and3A_809 : i32 to vector<16xi32>
      %and3A_811 = arith.andi %shift_right_logical3A_808, %and3A_810 : vector<16xi32>
      %shift_right_logical3A_812 = arith.constant 24 : i32
      %shift_right_logical3A_813 = vector.broadcast %shift_right_logical3A_812 : i32 to vector<16xi32>
      %shift_right_logical3A_814 = arith.shrui %get3A_796, %shift_right_logical3A_813 : vector<16xi32>
      %mul3A_815 = arith.constant 27 : i32
      %mul3A_816 = vector.broadcast %mul3A_815 : i32 to vector<16xi32>
      %mul3A_817 = arith.muli %and3A_799, %mul3A_816 : vector<16xi32>
      %mul3A_818 = arith.constant 9 : i32
      %mul3A_819 = vector.broadcast %mul3A_818 : i32 to vector<16xi32>
      %mul3A_820 = arith.muli %and3A_805, %mul3A_819 : vector<16xi32>
      %add3A_821 = arith.addi %mul3A_817, %mul3A_820 : vector<16xi32>
      %mul3A_822 = arith.constant 3 : i32
      %mul3A_823 = vector.broadcast %mul3A_822 : i32 to vector<16xi32>
      %mul3A_824 = arith.muli %and3A_811, %mul3A_823 : vector<16xi32>
      %add3A_825 = arith.addi %add3A_821, %mul3A_824 : vector<16xi32>
      %add3A_826 = arith.addi %add3A_825, %shift_right_logical3A_814 : vector<16xi32>
      %get3A_827 = arith.constant 1 : i32
      %get3A_828 = arith.index_cast %get3A_827 : i32 to index
      %get3A_829 = arith.constant 48 : index
      %get3A_830 = tpu.vector_load %arg7[%get3A_828, %get3A_829] {strides = array<i32>} : memref<2x80xi32, #tpu.memory_space<vmem>>, vector<1x16xi32>,
      %get3A_831 = vector.shape_cast %get3A_830 : vector<1x16xi32> to vector<16xi32>
      %and3A_832 = arith.constant 255 : i32
      %and3A_833 = vector.broadcast %and3A_832 : i32 to vector<16xi32>
      %and3A_834 = arith.andi %get3A_831, %and3A_833 : vector<16xi32>
      %shift_right_logical3A_835 = arith.constant 8 : i32
      %shift_right_logical3A_836 = vector.broadcast %shift_right_logical3A_835 : i32 to vector<16xi32>
      %shift_right_logical3A_837 = arith.shrui %get3A_831, %shift_right_logical3A_836 : vector<16xi32>
      %and3A_838 = arith.constant 255 : i32
      %and3A_839 = vector.broadcast %and3A_838 : i32 to vector<16xi32>
      %and3A_840 = arith.andi %shift_right_logical3A_837, %and3A_839 : vector<16xi32>
      %shift_right_logical3A_841 = arith.constant 16 : i32
      %shift_right_logical3A_842 = vector.broadcast %shift_right_logical3A_841 : i32 to vector<16xi32>
      %shift_right_logical3A_843 = arith.shrui %get3A_831, %shift_right_logical3A_842 : vector<16xi32>
      %and3A_844 = arith.constant 255 : i32
      %and3A_845 = vector.broadcast %and3A_844 : i32 to vector<16xi32>
      %and3A_846 = arith.andi %shift_right_logical3A_843, %and3A_845 : vector<16xi32>
      %shift_right_logical3A_847 = arith.constant 24 : i32
      %shift_right_logical3A_848 = vector.broadcast %shift_right_logical3A_847 : i32 to vector<16xi32>
      %shift_right_logical3A_849 = arith.shrui %get3A_831, %shift_right_logical3A_848 : vector<16xi32>
      %mul3A_850 = arith.constant 27 : i32
      %mul3A_851 = vector.broadcast %mul3A_850 : i32 to vector<16xi32>
      %mul3A_852 = arith.muli %and3A_834, %mul3A_851 : vector<16xi32>
      %mul3A_853 = arith.constant 9 : i32
      %mul3A_854 = vector.broadcast %mul3A_853 : i32 to vector<16xi32>
      %mul3A_855 = arith.muli %and3A_840, %mul3A_854 : vector<16xi32>
      %add3A_856 = arith.addi %mul3A_852, %mul3A_855 : vector<16xi32>
      %mul3A_857 = arith.constant 3 : i32
      %mul3A_858 = vector.broadcast %mul3A_857 : i32 to vector<16xi32>
      %mul3A_859 = arith.muli %and3A_846, %mul3A_858 : vector<16xi32>
      %add3A_860 = arith.addi %add3A_856, %mul3A_859 : vector<16xi32>
      %add3A_861 = arith.addi %add3A_860, %shift_right_logical3A_849 : vector<16xi32>
      %mul3A_862 = arith.constant 81 : i32
      %mul3A_863 = vector.broadcast %mul3A_862 : i32 to vector<16xi32>
      %mul3A_864 = arith.muli %add3A_826, %mul3A_863 : vector<16xi32>
      %add3A_865 = arith.addi %mul3A_864, %add3A_861 : vector<16xi32>
      %swap3A_866 = arith.constant 1 : i32
      %swap3A_867 = arith.index_cast %swap3A_866 : i32 to index
      %swap3A_868 = arith.constant 48 : index
      %swap3A_869 = tpu.vector_load %arg8[%swap3A_867, %swap3A_868] {strides = array<i32>} : memref<2x80xi32, #tpu.memory_space<vmem>>, vector<1x16xi32>,
      %swap3A_870 = vector.shape_cast %swap3A_869 : vector<1x16xi32> to vector<16xi32>
      %swap3A_871 = vector.shape_cast %add3A_865 : vector<16xi32> to vector<1x16xi32>
      tpu.vector_store %arg8[%swap3A_867, %swap3A_868], %swap3A_871 {strides = array<i32>} : memref<2x80xi32, #tpu.memory_space<vmem>>, vector<1x16xi32>,
      %get3A_872 = arith.constant 1 : i32
      %get3A_873 = arith.index_cast %get3A_872 : i32 to index
      %get3A_874 = arith.constant 64 : index
      %get3A_875 = tpu.vector_load %arg6[%get3A_873, %get3A_874] {strides = array<i32>} : memref<2x80xi32, #tpu.memory_space<vmem>>, vector<1x16xi32>,
      %get3A_876 = vector.shape_cast %get3A_875 : vector<1x16xi32> to vector<16xi32>
      %and3A_877 = arith.constant 255 : i32
      %and3A_878 = vector.broadcast %and3A_877 : i32 to vector<16xi32>
      %and3A_879 = arith.andi %get3A_876, %and3A_878 : vector<16xi32>
      %shift_right_logical3A_880 = arith.constant 8 : i32
      %shift_right_logical3A_881 = vector.broadcast %shift_right_logical3A_880 : i32 to vector<16xi32>
      %shift_right_logical3A_882 = arith.shrui %get3A_876, %shift_right_logical3A_881 : vector<16xi32>
      %and3A_883 = arith.constant 255 : i32
      %and3A_884 = vector.broadcast %and3A_883 : i32 to vector<16xi32>
      %and3A_885 = arith.andi %shift_right_logical3A_882, %and3A_884 : vector<16xi32>
      %shift_right_logical3A_886 = arith.constant 16 : i32
      %shift_right_logical3A_887 = vector.broadcast %shift_right_logical3A_886 : i32 to vector<16xi32>
      %shift_right_logical3A_888 = arith.shrui %get3A_876, %shift_right_logical3A_887 : vector<16xi32>
      %and3A_889 = arith.constant 255 : i32
      %and3A_890 = vector.broadcast %and3A_889 : i32 to vector<16xi32>
      %and3A_891 = arith.andi %shift_right_logical3A_888, %and3A_890 : vector<16xi32>
      %shift_right_logical3A_892 = arith.constant 24 : i32
      %shift_right_logical3A_893 = vector.broadcast %shift_right_logical3A_892 : i32 to vector<16xi32>
      %shift_right_logical3A_894 = arith.shrui %get3A_876, %shift_right_logical3A_893 : vector<16xi32>
      %mul3A_895 = arith.constant 27 : i32
      %mul3A_896 = vector.broadcast %mul3A_895 : i32 to vector<16xi32>
      %mul3A_897 = arith.muli %and3A_879, %mul3A_896 : vector<16xi32>
      %mul3A_898 = arith.constant 9 : i32
      %mul3A_899 = vector.broadcast %mul3A_898 : i32 to vector<16xi32>
      %mul3A_900 = arith.muli %and3A_885, %mul3A_899 : vector<16xi32>
      %add3A_901 = arith.addi %mul3A_897, %mul3A_900 : vector<16xi32>
      %mul3A_902 = arith.constant 3 : i32
      %mul3A_903 = vector.broadcast %mul3A_902 : i32 to vector<16xi32>
      %mul3A_904 = arith.muli %and3A_891, %mul3A_903 : vector<16xi32>
      %add3A_905 = arith.addi %add3A_901, %mul3A_904 : vector<16xi32>
      %add3A_906 = arith.addi %add3A_905, %shift_right_logical3A_894 : vector<16xi32>
      %get3A_907 = arith.constant 1 : i32
      %get3A_908 = arith.index_cast %get3A_907 : i32 to index
      %get3A_909 = arith.constant 64 : index
      %get3A_910 = tpu.vector_load %arg7[%get3A_908, %get3A_909] {strides = array<i32>} : memref<2x80xi32, #tpu.memory_space<vmem>>, vector<1x16xi32>,
      %get3A_911 = vector.shape_cast %get3A_910 : vector<1x16xi32> to vector<16xi32>
      %and3A_912 = arith.constant 255 : i32
      %and3A_913 = vector.broadcast %and3A_912 : i32 to vector<16xi32>
      %and3A_914 = arith.andi %get3A_911, %and3A_913 : vector<16xi32>
      %shift_right_logical3A_915 = arith.constant 8 : i32
      %shift_right_logical3A_916 = vector.broadcast %shift_right_logical3A_915 : i32 to vector<16xi32>
      %shift_right_logical3A_917 = arith.shrui %get3A_911, %shift_right_logical3A_916 : vector<16xi32>
      %and3A_918 = arith.constant 255 : i32
      %and3A_919 = vector.broadcast %and3A_918 : i32 to vector<16xi32>
      %and3A_920 = arith.andi %shift_right_logical3A_917, %and3A_919 : vector<16xi32>
      %shift_right_logical3A_921 = arith.constant 16 : i32
      %shift_right_logical3A_922 = vector.broadcast %shift_right_logical3A_921 : i32 to vector<16xi32>
      %shift_right_logical3A_923 = arith.shrui %get3A_911, %shift_right_logical3A_922 : vector<16xi32>
      %and3A_924 = arith.constant 255 : i32
      %and3A_925 = vector.broadcast %and3A_924 : i32 to vector<16xi32>
      %and3A_926 = arith.andi %shift_right_logical3A_923, %and3A_925 : vector<16xi32>
      %shift_right_logical3A_927 = arith.constant 24 : i32
      %shift_right_logical3A_928 = vector.broadcast %shift_right_logical3A_927 : i32 to vector<16xi32>
      %shift_right_logical3A_929 = arith.shrui %get3A_911, %shift_right_logical3A_928 : vector<16xi32>
      %mul3A_930 = arith.constant 27 : i32
      %mul3A_931 = vector.broadcast %mul3A_930 : i32 to vector<16xi32>
      %mul3A_932 = arith.muli %and3A_914, %mul3A_931 : vector<16xi32>
      %mul3A_933 = arith.constant 9 : i32
      %mul3A_934 = vector.broadcast %mul3A_933 : i32 to vector<16xi32>
      %mul3A_935 = arith.muli %and3A_920, %mul3A_934 : vector<16xi32>
      %add3A_936 = arith.addi %mul3A_932, %mul3A_935 : vector<16xi32>
      %mul3A_937 = arith.constant 3 : i32
      %mul3A_938 = vector.broadcast %mul3A_937 : i32 to vector<16xi32>
      %mul3A_939 = arith.muli %and3A_926, %mul3A_938 : vector<16xi32>
      %add3A_940 = arith.addi %add3A_936, %mul3A_939 : vector<16xi32>
      %add3A_941 = arith.addi %add3A_940, %shift_right_logical3A_929 : vector<16xi32>
      %mul3A_942 = arith.constant 81 : i32
      %mul3A_943 = vector.broadcast %mul3A_942 : i32 to vector<16xi32>
      %mul3A_944 = arith.muli %add3A_906, %mul3A_943 : vector<16xi32>
      %add3A_945 = arith.addi %mul3A_944, %add3A_941 : vector<16xi32>
      %swap3A_946 = arith.constant 1 : i32
      %swap3A_947 = arith.index_cast %swap3A_946 : i32 to index
      %swap3A_948 = arith.constant 64 : index
      %swap3A_949 = tpu.vector_load %arg8[%swap3A_947, %swap3A_948] {strides = array<i32>} : memref<2x80xi32, #tpu.memory_space<vmem>>, vector<1x16xi32>,
      %swap3A_950 = vector.shape_cast %swap3A_949 : vector<1x16xi32> to vector<16xi32>
      %swap3A_951 = vector.shape_cast %add3A_945 : vector<16xi32> to vector<1x16xi32>
      tpu.vector_store %arg8[%swap3A_947, %swap3A_948], %swap3A_951 {strides = array<i32>} : memref<2x80xi32, #tpu.memory_space<vmem>>, vector<1x16xi32>,
      %gt3A_952 = arith.constant 0 : i32
      %gt3A_953 = arith.cmpi sgt, %scan3A_56, %gt3A_952 : i32
      %convert_element_type3A_954 = arith.extui %gt3A_953 : i1 to i32
      %cond3A_955 = arith.constant 0 : i32
      %cond3A_956 = arith.cmpi ne, %convert_element_type3A_954, %cond3A_955 : i32
      scf.if %cond3A_956 {
        %dma_wait3A_1005 = arith.constant 1 : i32
        %dma_wait3A_1006 = arith.constant 0 : i32
        %dma_wait3A_1007 = arith.constant 0 : i32
        %dma_wait3A_1008 = tpu.memref_slice %arg9[%dma_wait3A_1005, %dma_wait3A_1006, %dma_wait3A_1007] : memref<2x80x512xf32, #tpu.memory_space<vmem>> -> memref<1x80x512xf32, #tpu.memory_space<vmem>>
        %dma_wait3A_1009 = tpu.memref_squeeze %dma_wait3A_1008 : memref<1x80x512xf32, #tpu.memory_space<vmem>> -> memref<80x512xf32, #tpu.memory_space<vmem>>
        %dma_wait3A_1010 = arith.constant 0 : i32
        %dma_wait3A_1011 = arith.constant 0 : i32
        %dma_wait3A_1012 = tpu.memref_slice %arg5[%dma_wait3A_1010, %dma_wait3A_1011] : memref<102400x512xf32, #tpu.memory_space<hbm>> -> memref<80x512xf32, #tpu.memory_space<hbm>>
        %dma_wait3A_1013 = arith.constant 0 : i32
        %dma_wait3A_1014 = arith.constant 0 : i32
        %dma_wait3A_1015 = tpu.memref_slice %arg5[%dma_wait3A_1013, %dma_wait3A_1014] : memref<102400x512xf32, #tpu.memory_space<hbm>> -> memref<80x512xf32, #tpu.memory_space<hbm>>
        %dma_wait3A_1016 = arith.constant 0 : i32
        %dma_wait3A_1017 = arith.constant 0 : i32
        %dma_wait3A_1018 = tpu.memref_slice %arg9[%dma_wait3A_1005, %dma_wait3A_1016, %dma_wait3A_1017] : memref<2x80x512xf32, #tpu.memory_space<vmem>> -> memref<1x80x512xf32, #tpu.memory_space<vmem>>
        %dma_wait3A_1019 = tpu.memref_squeeze %dma_wait3A_1018 : memref<1x80x512xf32, #tpu.memory_space<vmem>> -> memref<80x512xf32, #tpu.memory_space<vmem>>
        tpu.wait_dma2 semaphore(%arg15 : memref<!tpu.dma_semaphore, #tpu.memory_space<semaphore_mem>>) src(%dma_wait3A_1019 : memref<80x512xf32, #tpu.memory_space<vmem>>) dst(%dma_wait3A_1015 : memref<80x512xf32, #tpu.memory_space<hbm>>)
      } else {
      }
      %dma_start3A_957 = arith.constant 1 : i32
      %dma_start3A_958 = arith.constant 1 : i32
      %dma_start3A_959 = arith.constant 0 : i32
      %dma_start3A_960 = arith.constant 0 : i32
      %dma_start3A_961 = tpu.memref_slice %arg9[%dma_start3A_958, %dma_start3A_959, %dma_start3A_960] : memref<2x80x512xf32, #tpu.memory_space<vmem>> -> memref<1x80x512xf32, #tpu.memory_space<vmem>>
      %dma_start3A_962 = tpu.memref_squeeze %dma_start3A_961 : memref<1x80x512xf32, #tpu.memory_space<vmem>> -> memref<80x512xf32, #tpu.memory_space<vmem>>
      %dma_start3A_963 = arith.constant 0 : i32
      %dma_start3A_964 = tpu.memref_slice %arg8[%dma_start3A_957, %dma_start3A_963] : memref<2x80xi32, #tpu.memory_space<vmem>> -> memref<1x80xi32, #tpu.memory_space<vmem>>
      %dma_start3A_965 = tpu.memref_squeeze %dma_start3A_964 : memref<1x80xi32, #tpu.memory_space<vmem>> -> memref<80xi32, #tpu.memory_space<vmem>>
      %dma_start3A_966 = arith.constant 0 : i32
      %dma_start3A_967 = arith.constant 0 : i32
      %dma_start3A_968 = tpu.memref_slice %arg4[%dma_start3A_966, %dma_start3A_967] : memref<6561x512xf32, #tpu.memory_space<hbm>> -> memref<6561x512xf32, #tpu.memory_space<hbm>>
      tpu.enqueue_indirect_dma source(%dma_start3A_968 : memref<6561x512xf32, #tpu.memory_space<hbm>>) target(%dma_start3A_962 : memref<80x512xf32, #tpu.memory_space<vmem>>) offsets(%dma_start3A_965 : memref<80xi32, #tpu.memory_space<vmem>>) semaphore(%arg13 : memref<!tpu.dma_semaphore, #tpu.memory_space<semaphore_mem>>)
      %add3A_969 = arith.constant 1 : i32
      %add3A_970 = arith.addi %add3A_529, %add3A_969 : i32
      %lt3A_971 = arith.constant 40 : i32
      %lt3A_972 = arith.cmpi slt, %add3A_970, %lt3A_971 : i32
      %convert_element_type3A_973 = arith.extui %lt3A_972 : i1 to i32
      %cond3A_974 = arith.constant 0 : i32
      %cond3A_975 = arith.cmpi ne, %convert_element_type3A_973, %cond3A_974 : i32
      scf.if %cond3A_975 {
        %add3A_1005 = arith.constant 1 : i32
        %add3A_1006 = arith.addi %add3A_529, %add3A_1005 : i32
        %mul3A_1007 = arith.constant 80 : i32
        %mul3A_1008 = arith.muli %add3A_1006, %mul3A_1007 : i32
        %add3A_1009 = arith.addi %mul3A_2, %mul3A_1008 : i32
        %multiple_of3A_1010 = tpu.assume_multiple %add3A_1009, 80 : i32
        %dma_start3A_1011 = arith.constant 0 : i32
        %dma_start3A_1012 = arith.constant 0 : i32
        %dma_start3A_1013 = tpu.memref_slice %arg6[%dma_start3A_1011, %dma_start3A_1012] : memref<2x80xi32, #tpu.memory_space<vmem>> -> memref<1x80xi32, #tpu.memory_space<vmem>>
        %dma_start3A_1014 = tpu.memref_squeeze %dma_start3A_1013 : memref<1x80xi32, #tpu.memory_space<vmem>> -> memref<80xi32, #tpu.memory_space<vmem>>
        %dma_start3A_1015 = tpu.memref_slice %arg2[%multiple_of3A_1010] : memref<102400xi32, #tpu.memory_space<hbm>> -> memref<80xi32, #tpu.memory_space<hbm>>
        %dma_start3A_1016 = arith.constant 0 : i32
        %dma_start3A_1017 = tpu.memref_slice %arg6[%dma_start3A_1011, %dma_start3A_1016] : memref<2x80xi32, #tpu.memory_space<vmem>> -> memref<1x80xi32, #tpu.memory_space<vmem>>
        %dma_start3A_1018 = tpu.memref_squeeze %dma_start3A_1017 : memref<1x80xi32, #tpu.memory_space<vmem>> -> memref<80xi32, #tpu.memory_space<vmem>>
        %dma_start3A_1019 = tpu.memref_slice %arg2[%multiple_of3A_1010] : memref<102400xi32, #tpu.memory_space<hbm>> -> memref<80xi32, #tpu.memory_space<hbm>>
        tpu.enqueue_dma source(%dma_start3A_1019 : memref<80xi32, #tpu.memory_space<hbm>>) target(%dma_start3A_1018 : memref<80xi32, #tpu.memory_space<vmem>>) target_semaphore(%arg10 : memref<!tpu.dma_semaphore, #tpu.memory_space<semaphore_mem>>)
        %dma_start3A_1020 = arith.constant 0 : i32
        %dma_start3A_1021 = arith.constant 0 : i32
        %dma_start3A_1022 = tpu.memref_slice %arg7[%dma_start3A_1020, %dma_start3A_1021] : memref<2x80xi32, #tpu.memory_space<vmem>> -> memref<1x80xi32, #tpu.memory_space<vmem>>
        %dma_start3A_1023 = tpu.memref_squeeze %dma_start3A_1022 : memref<1x80xi32, #tpu.memory_space<vmem>> -> memref<80xi32, #tpu.memory_space<vmem>>
        %dma_start3A_1024 = tpu.memref_slice %arg3[%multiple_of3A_1010] : memref<102400xi32, #tpu.memory_space<hbm>> -> memref<80xi32, #tpu.memory_space<hbm>>
        %dma_start3A_1025 = arith.constant 0 : i32
        %dma_start3A_1026 = tpu.memref_slice %arg7[%dma_start3A_1020, %dma_start3A_1025] : memref<2x80xi32, #tpu.memory_space<vmem>> -> memref<1x80xi32, #tpu.memory_space<vmem>>
        %dma_start3A_1027 = tpu.memref_squeeze %dma_start3A_1026 : memref<1x80xi32, #tpu.memory_space<vmem>> -> memref<80xi32, #tpu.memory_space<vmem>>
        %dma_start3A_1028 = tpu.memref_slice %arg3[%multiple_of3A_1010] : memref<102400xi32, #tpu.memory_space<hbm>> -> memref<80xi32, #tpu.memory_space<hbm>>
        tpu.enqueue_dma source(%dma_start3A_1028 : memref<80xi32, #tpu.memory_space<hbm>>) target(%dma_start3A_1027 : memref<80xi32, #tpu.memory_space<vmem>>) target_semaphore(%arg10 : memref<!tpu.dma_semaphore, #tpu.memory_space<semaphore_mem>>)
      } else {
      }
      %dma_wait3A_976 = arith.constant 1 : i32
      %dma_wait3A_977 = arith.constant 1 : i32
      %dma_wait3A_978 = arith.constant 0 : i32
      %dma_wait3A_979 = arith.constant 0 : i32
      %dma_wait3A_980 = tpu.memref_slice %arg9[%dma_wait3A_977, %dma_wait3A_978, %dma_wait3A_979] : memref<2x80x512xf32, #tpu.memory_space<vmem>> -> memref<1x80x512xf32, #tpu.memory_space<vmem>>
      %dma_wait3A_981 = tpu.memref_squeeze %dma_wait3A_980 : memref<1x80x512xf32, #tpu.memory_space<vmem>> -> memref<80x512xf32, #tpu.memory_space<vmem>>
      %dma_wait3A_982 = arith.constant 0 : i32
      %dma_wait3A_983 = tpu.memref_slice %arg8[%dma_wait3A_976, %dma_wait3A_982] : memref<2x80xi32, #tpu.memory_space<vmem>> -> memref<1x80xi32, #tpu.memory_space<vmem>>
      %dma_wait3A_984 = tpu.memref_squeeze %dma_wait3A_983 : memref<1x80xi32, #tpu.memory_space<vmem>> -> memref<80xi32, #tpu.memory_space<vmem>>
      %dma_wait3A_985 = arith.constant 0 : i32
      %dma_wait3A_986 = arith.constant 0 : i32
      %dma_wait3A_987 = tpu.memref_slice %arg4[%dma_wait3A_985, %dma_wait3A_986] : memref<6561x512xf32, #tpu.memory_space<hbm>> -> memref<6561x512xf32, #tpu.memory_space<hbm>>
      tpu.wait_indirect_dma semaphore(%arg13 : memref<!tpu.dma_semaphore, #tpu.memory_space<semaphore_mem>>) src(%dma_wait3A_987 : memref<6561x512xf32, #tpu.memory_space<hbm>>) dst(%dma_wait3A_981 : memref<80x512xf32, #tpu.memory_space<vmem>>)
      %mul3A_988 = arith.constant 80 : i32
      %mul3A_989 = arith.muli %add3A_529, %mul3A_988 : i32
      %add3A_990 = arith.addi %mul3A_2, %mul3A_989 : i32
      %multiple_of3A_991 = tpu.assume_multiple %add3A_990, 80 : i32
      %dma_start3A_992 = arith.constant 1 : i32
      %dma_start3A_993 = arith.constant 0 : i32
      %dma_start3A_994 = arith.constant 0 : i32
      %dma_start3A_995 = tpu.memref_slice %arg9[%dma_start3A_992, %dma_start3A_993, %dma_start3A_994] : memref<2x80x512xf32, #tpu.memory_space<vmem>> -> memref<1x80x512xf32, #tpu.memory_space<vmem>>
      %dma_start3A_996 = tpu.memref_squeeze %dma_start3A_995 : memref<1x80x512xf32, #tpu.memory_space<vmem>> -> memref<80x512xf32, #tpu.memory_space<vmem>>
      %dma_start3A_997 = arith.constant 0 : i32
      %dma_start3A_998 = tpu.memref_slice %arg5[%multiple_of3A_991, %dma_start3A_997] : memref<102400x512xf32, #tpu.memory_space<hbm>> -> memref<80x512xf32, #tpu.memory_space<hbm>>
      %dma_start3A_999 = arith.constant 0 : i32
      %dma_start3A_1000 = tpu.memref_slice %arg5[%multiple_of3A_991, %dma_start3A_999] : memref<102400x512xf32, #tpu.memory_space<hbm>> -> memref<80x512xf32, #tpu.memory_space<hbm>>
      %dma_start3A_1001 = arith.constant 0 : i32
      %dma_start3A_1002 = arith.constant 0 : i32
      %dma_start3A_1003 = tpu.memref_slice %arg9[%dma_start3A_992, %dma_start3A_1001, %dma_start3A_1002] : memref<2x80x512xf32, #tpu.memory_space<vmem>> -> memref<1x80x512xf32, #tpu.memory_space<vmem>>
      %dma_start3A_1004 = tpu.memref_squeeze %dma_start3A_1003 : memref<1x80x512xf32, #tpu.memory_space<vmem>> -> memref<80x512xf32, #tpu.memory_space<vmem>>
      tpu.enqueue_dma source(%dma_start3A_1004 : memref<80x512xf32, #tpu.memory_space<vmem>>) target(%dma_start3A_1000 : memref<80x512xf32, #tpu.memory_space<hbm>>) target_semaphore(%arg15 : memref<!tpu.dma_semaphore, #tpu.memory_space<semaphore_mem>>)
    }
    %scan3A_26 = arith.constant 20 : i32
    %dma_wait3A = arith.constant 0 : i32
    %dma_wait3A_27 = arith.constant 0 : i32
    %dma_wait3A_28 = arith.constant 0 : i32
    %dma_wait3A_29 = tpu.memref_slice %arg9[%dma_wait3A, %dma_wait3A_27, %dma_wait3A_28] : memref<2x80x512xf32, #tpu.memory_space<vmem>> -> memref<1x80x512xf32, #tpu.memory_space<vmem>>
    %dma_wait3A_30 = tpu.memref_squeeze %dma_wait3A_29 : memref<1x80x512xf32, #tpu.memory_space<vmem>> -> memref<80x512xf32, #tpu.memory_space<vmem>>
    %dma_wait3A_31 = arith.constant 0 : i32
    %dma_wait3A_32 = arith.constant 0 : i32
    %dma_wait3A_33 = tpu.memref_slice %arg5[%dma_wait3A_31, %dma_wait3A_32] : memref<102400x512xf32, #tpu.memory_space<hbm>> -> memref<80x512xf32, #tpu.memory_space<hbm>>
    %dma_wait3A_34 = arith.constant 0 : i32
    %dma_wait3A_35 = arith.constant 0 : i32
    %dma_wait3A_36 = tpu.memref_slice %arg5[%dma_wait3A_34, %dma_wait3A_35] : memref<102400x512xf32, #tpu.memory_space<hbm>> -> memref<80x512xf32, #tpu.memory_space<hbm>>
    %dma_wait3A_37 = arith.constant 0 : i32
    %dma_wait3A_38 = arith.constant 0 : i32
    %dma_wait3A_39 = tpu.memref_slice %arg9[%dma_wait3A, %dma_wait3A_37, %dma_wait3A_38] : memref<2x80x512xf32, #tpu.memory_space<vmem>> -> memref<1x80x512xf32, #tpu.memory_space<vmem>>
    %dma_wait3A_40 = tpu.memref_squeeze %dma_wait3A_39 : memref<1x80x512xf32, #tpu.memory_space<vmem>> -> memref<80x512xf32, #tpu.memory_space<vmem>>
    tpu.wait_dma2 semaphore(%arg14 : memref<!tpu.dma_semaphore, #tpu.memory_space<semaphore_mem>>) src(%dma_wait3A_40 : memref<80x512xf32, #tpu.memory_space<vmem>>) dst(%dma_wait3A_36 : memref<80x512xf32, #tpu.memory_space<hbm>>)
    %dma_wait3A_41 = arith.constant 1 : i32
    %dma_wait3A_42 = arith.constant 0 : i32
    %dma_wait3A_43 = arith.constant 0 : i32
    %dma_wait3A_44 = tpu.memref_slice %arg9[%dma_wait3A_41, %dma_wait3A_42, %dma_wait3A_43] : memref<2x80x512xf32, #tpu.memory_space<vmem>> -> memref<1x80x512xf32, #tpu.memory_space<vmem>>
    %dma_wait3A_45 = tpu.memref_squeeze %dma_wait3A_44 : memref<1x80x512xf32, #tpu.memory_space<vmem>> -> memref<80x512xf32, #tpu.memory_space<vmem>>
    %dma_wait3A_46 = arith.constant 0 : i32
    %dma_wait3A_47 = arith.constant 0 : i32
    %dma_wait3A_48 = tpu.memref_slice %arg5[%dma_wait3A_46, %dma_wait3A_47] : memref<102400x512xf32, #tpu.memory_space<hbm>> -> memref<80x512xf32, #tpu.memory_space<hbm>>
    %dma_wait3A_49 = arith.constant 0 : i32
    %dma_wait3A_50 = arith.constant 0 : i32
    %dma_wait3A_51 = tpu.memref_slice %arg5[%dma_wait3A_49, %dma_wait3A_50] : memref<102400x512xf32, #tpu.memory_space<hbm>> -> memref<80x512xf32, #tpu.memory_space<hbm>>
    %dma_wait3A_52 = arith.constant 0 : i32
    %dma_wait3A_53 = arith.constant 0 : i32
    %dma_wait3A_54 = tpu.memref_slice %arg9[%dma_wait3A_41, %dma_wait3A_52, %dma_wait3A_53] : memref<2x80x512xf32, #tpu.memory_space<vmem>> -> memref<1x80x512xf32, #tpu.memory_space<vmem>>
    %dma_wait3A_55 = tpu.memref_squeeze %dma_wait3A_54 : memref<1x80x512xf32, #tpu.memory_space<vmem>> -> memref<80x512xf32, #tpu.memory_space<vmem>>
    tpu.wait_dma2 semaphore(%arg15 : memref<!tpu.dma_semaphore, #tpu.memory_space<semaphore_mem>>) src(%dma_wait3A_55 : memref<80x512xf32, #tpu.memory_space<vmem>>) dst(%dma_wait3A_51 : memref<80x512xf32, #tpu.memory_space<hbm>>)
    return
  }
}

</mosaic_0001>

<sc_bundles>
// kernel: kernel.3.cloned.1.call-start
scs
__scs_entry_jumppad:
0x0: {  	(pc) =	sbr.rel $0x88, $3  }
0x1: {  	(tag) =	ssettag $0x0;
	lr =	simm.s32 $0x1  }
0x2: {  	[smem:$0x3F9F] =	sst lr;
	_ =	strace $0xD0000000  }
0x3: {  	_ = 	snop  }
0x4: {  	_ = 	snop  }
0x5: {  	_ = 	snop  }
0x6: {  	_ = 	snop  }
0x7: {  	_ = 	snop  }
__scs_overlays_trampoline_lowered:
0x8: {  	[smem:$0x3FAE] =	sst s0  }
0x9: {  	[smem:$0x3FAF] =	sst s1  }
0xa: {  	[smem:$0x3FB0] =	sst s2  }
0xb: {  	[smem:$0x3FB1] =	sst s3  }
0xc: {  	[smem:$0x3FB2] =	sst s4  }
0xd: {  	[smem:$0x3FB3] =	sst s5  }
0xe: {  	[smem:$0x3FB4] =	sst s6  }
0xf: {  	[smem:$0x3FB5] =	sst s7  }
0x10: {  	[smem:$0x3FB6] =	sst s8  }
0x11: {  	[smem:$0x3FB7] =	sst s9;
	s0 =	simm.s32 @!p0 $0x0  }
0x12: {  	s1 =	sld [smem:$0x3F9D];
	s0 =	simm.s32 @p0 $0x1  }
0x13: {  	[smem:$0x3FB8] =	sst s0;
	s0 =	simm.s32 @!p1 $0x0  }
0x14: {  	s2 =	sld [smem:$0x3F9C];
	s0 =	simm.s32 @p1 $0x1  }
0x15: {  	[smem:$0x3FB9] =	sst s0;
	s0 =	simm.s32 @!p2 $0x0  }
0x16: {  	s3 =	sld [smem:$0x3FDB];
	s0 =	simm.s32 @p2 $0x1  }
0x17: {  	s4 =	simm.s32 $0x1BF5;
	[smem:$0x3FBB] =	sst s0  }
0x18: {  	s0 =	sld [smem:$0x3F9E];
	_ =	swait.ge [sflag:s4], $0x0  }
0x19: {  	s7 =	sld [smem:$0x3F9F]  }
0x1a: {  	s8 =	sadd.s32 $0xFFFFE003, lr  }
0x1b: {  	s9 =	sadd.s32 $0xFFFFFEF7, lr;
	s5 =	simm.s32 $0xFFFFFFFF;
	p2 =	slt.u32 s8, $0xFFFFF086  }
0x1c: {  	p1 =	slt.u32 s9, $0xF7A;
	s5 =	simm.s32 @!p2 $0x0  }
0x1d: {  	s5 =	simm.s32 @p1 $0x1;
	p0 =	seq.s32 s7, s2  }
0x1e: {  	s7 =	smul.u32 @!p0 $0xF7A, s2;
	p2 =	seq.s32 @!p0 s5, $0x0  }
0x1f: {  	s9 =	smul.u32 $0xF7A, s1;
	s8 =	simm.s32 @!p0 $0x1BF5;
	p2 =	por !p2, p0  }
0x20: {  	[sflag:s8] =	ssyncset.s32 @!p0 $0xFFFFF086;
	s6 =	sadd.s32 @!p0 s3, s7;
	s7 =	simm.s32 @!p0 $0x108  }
0x21: {  	s3 =	sadd.s32 s3, s9;
	s6 =	sadd.s32 @!p0 $0x88, s6;
	s7 =	simm.s32 @p2 $0x1082  }
0x22: {  	[simem:s7], [sflag:s8] =	dma.local @!p0 [hbm:s6], $0xF7A  }
0x23: {  	s9 =	sor.u32 $0xD0000000, s2;
	s6 =	simm.s32 $0x108;
	_ =	swait.ge @!p0 [sflag:s8], $0x0  }
0x24: {  	s3 =	sadd.s32 $0x88, s3;
	s6 =	simm.s32 @!p1 $0x1082;
	[sflag:s4] =	ssyncset.s32 $0xFFFFF086  }
0x25: {  	[simem:s6], [sflag:s4] =	dma.local [hbm:s3], $0xF7A  }
0x26: {  	[smem:$0x3F9F] =	sst s1;
	(tag) =	ssettag s2;
	_ =	strace s9  }
0x27: {  	s1 =	sld [smem:$0x3FAF]  }
0x28: {  	s2 =	sld [smem:$0x3FB0]  }
0x29: {  	s4 =	sld [smem:$0x3FB2]  }
0x2a: {  	p0 =	seq.s32 s5, $0x0;
	s5 =	sld [smem:$0x3FB3]  }
0x2b: {  	s6 =	sld [smem:$0x3FB4]  }
0x2c: {  	s7 =	sld [smem:$0x3FB5]  }
0x2d: {  	s3 =	simm.s32 $0x108;
	s8 =	sld [smem:$0x3FB6]  }
0x2e: {  	s3 =	simm.s32 @!p0 $0x1082;
	s9 =	sld [smem:$0x3FB7]  }
0x2f: {  	lr =	sadd.s32 s0, s3;
	s0 =	sld [smem:$0x3FAE]  }
0x30: {  	s3 =	sld [smem:$0x3FB1]  }
0x31: {  	[smem:$0x3FBA] =	sst s10  }
0x32: {  	s10 =	sld [smem:$0x3FB8];
	_ =	sdelay $0x3  }
0x33: {  	p0 =	seq.s32 s10, $0x1;
	s10 =	sld [smem:$0x3FBA];
	_ =	sdelay $0x3  }
0x34: {  	[smem:$0x3FBA] =	sst s10  }
0x35: {  	s10 =	sld [smem:$0x3FB9];
	_ =	sdelay $0x3  }
0x36: {  	p1 =	seq.s32 s10, $0x1;
	s10 =	sld [smem:$0x3FBA];
	_ =	sdelay $0x3  }
0x37: {  	[smem:$0x3FBA] =	sst s10  }
0x38: {  	s10 =	sld [smem:$0x3FBB]  }
0x39: {  	_ = 	snop;
	(pc) =	sbr.ind lr, $3  }
0x3a: {  	_ = 	snop  }
0x3b: {  	_ = 	snop  }
0x3c: {  	p2 =	seq.s32 s10, $0x1;
	s10 =	sld [smem:$0x3FBA]  }
0x3d: {  	_ =	shalt  }
0x3e: {  	_ =	shalt  }
0x3f: {  	_ =	shalt  }
0x40: {  	_ =	shalt  }
0x41: {  	_ =	shalt  }
0x42: {  	_ =	shalt  }
0x43: {  	_ =	shalt  }
0x44: {  	_ =	shalt  }
0x45: {  	_ =	shalt  }
0x46: {  	_ =	shalt  }
0x47: {  	_ =	shalt  }
0x48: {  	_ =	shalt  }
0x49: {  	_ =	shalt  }
0x4a: {  	_ =	shalt  }
0x4b: {  	_ =	shalt  }
0x4c: {  	_ =	shalt  }
0x4d: {  	_ =	shalt  }
0x4e: {  	_ =	shalt  }
0x4f: {  	_ =	shalt  }
0x50: {  	_ =	shalt  }
0x51: {  	_ =	shalt  }
0x52: {  	_ =	shalt  }
0x53: {  	_ =	shalt  }
0x54: {  	_ =	shalt  }
0x55: {  	_ =	shalt  }
0x56: {  	_ =	shalt  }
0x57: {  	_ =	shalt  }
0x58: {  	_ =	shalt  }
0x59: {  	_ =	shalt  }
0x5a: {  	_ =	shalt  }
0x5b: {  	_ =	shalt  }
0x5c: {  	_ =	shalt  }
0x5d: {  	_ =	shalt  }
0x5e: {  	_ =	shalt  }
0x5f: {  	_ =	shalt  }
0x60: {  	_ =	shalt  }
0x61: {  	_ =	shalt  }
0x62: {  	_ =	shalt  }
0x63: {  	_ =	shalt  }
0x64: {  	_ =	shalt  }
0x65: {  	_ =	shalt  }
0x66: {  	_ =	shalt  }
0x67: {  	_ =	shalt  }
0x68: {  	_ =	shalt  }
0x69: {  	_ =	shalt  }
0x6a: {  	_ =	shalt  }
0x6b: {  	_ =	shalt  }
0x6c: {  	_ =	shalt  }
0x6d: {  	_ =	shalt  }
0x6e: {  	_ =	shalt  }
0x6f: {  	_ =	shalt  }
0x70: {  	_ =	shalt  }
0x71: {  	_ =	shalt  }
0x72: {  	_ =	shalt  }
0x73: {  	_ =	shalt  }
0x74: {  	_ =	shalt  }
0x75: {  	_ =	shalt  }
0x76: {  	_ =	shalt  }
0x77: {  	_ =	shalt  }
0x78: {  	_ =	shalt  }
0x79: {  	_ =	shalt  }
0x7a: {  	_ =	shalt  }
0x7b: {  	_ =	shalt  }
0x7c: {  	_ =	shalt  }
0x7d: {  	_ =	shalt  }
0x7e: {  	_ =	shalt  }
0x7f: {  	_ =	shalt  }
0x80: {  	_ =	shalt  }
0x81: {  	_ =	shalt  }
0x82: {  	_ =	shalt  }
0x83: {  	_ =	shalt  }
0x84: {  	_ =	shalt  }
0x85: {  	_ =	shalt  }
0x86: {  	_ =	shalt  }
0x87: {  	_ =	shalt  }
.Lfunc_end0:
.L_simem_size_0:
called_computation.1_lowered:
.L_overlay_start_0:
0x88: {  	s2 =	sld [smem:$0x3FD9]  }
0x89: {  	s3 =	sld [smem:$0x3FFE];
	_ =	sdelay $0x1  }
0x8a: {  	s1 =	srdreg.scid  }
0x8b: {  	s0 =	sand.u32 $0x1, s1  }
0x8c: {  	s17 =	sshll.u32 s0, $0xA;
	s2 =	sadd.s32 s3, s2  }
0x8d: {  	s2 =	sadd.s32 s2, s17  }
0x8e: {  	[smem:$0x3FC6] =	sst s2  }
0x8f: {  	_ = 	snop  }
0x90: {  	s2 =	sld [smem:$0x3FD0];
	(tm) =	ssettm $0x1  }
0x91: {  	s18 =	sld [smem:$0x3FFB];
	_ =	sdelay $0x3  }
0x92: {  	_ =	strace s18  }
0x93: {  	s3 =	sld [smem:$0x3FFC];
	_ =	sdelay $0x3  }
0x94: {  	_ =	strace s3  }
0x95: {  	s3 =	sld [smem:$0x3FFD];
	_ =	sdelay $0x3  }
0x96: {  	_ =	strace s3  }
0x97: {  	_ =	strace $0x8FFFFFFF  }
0x98: {  	s19 =	sld [smem:$0x3FDB];
	_ =	sdelay $0x1  }
0x99: {  	s4 =	simm.s32 $_scs_section_size  }
0x9a: {  	s5 =	simm.s32 $_size__tile_overlayer_lowered;
	s6 =	simm.s32 $_tile_overlayer_lowered  }
0x9b: {  	s22 =	simm.s32 $0x1BFF;
	s21 =	sshll.u32 s6, $0x1;
	s3 =	sadd.s32 s4, s19  }
0x9c: {  	s7 =	simm.s32 $0x0;
	s20 =	sshll.u32 s5, $0x1;
	s5 =	sadd.s32 s21, s3  }
0x9d: {  	[timem:s7], [sflag:s22] =	dma.local [hbm:s5], s20  }
0x9e: {  	_ =	swait.ge [sflag:s22], s20  }
0x9f: {  	s4 =	ssub.s32 $0x0, s20;
	[sflag:s22] =	ssyncset.done $0x0  }
0xa0: {  	[sflag:s22] =	ssyncadd.s32 s4;
	_ =	sdelay $0x1  }
0xa1: {  	s23 =	simm.s32 $0x1B8B  }
0xa2: {  	_ =	swait.ge [sflag:s23], $0x1  }
0xa3: {  	[sflag:s23] =	ssyncset.done $0x0  }
0xa4: {  	s25 =	simm.s32 $0x1B8E;
	s24 =	sld [smem:$0x3FFE];
	[sflag:s23] =	ssyncadd.s32 $0xFFFFFFFF  }
0xa5: {  	s26 =	simm.s32 $execute0_lowered;
	[smem:$0x3FD2] =	sst s25  }
0xa6: {  	s5 =	sshll.u32 s26, $0x1;
	_ =	strace $0x80000046;
	[dreg:$0x1] =	wrdreg $0xFFFFFFFF  }
0xa7: {  	s28 =	simm.s32 $_size_execute0_lowered;
	s3 =	sadd.s32 s3, s5;
	[dreg:$0x0] =	wrdreg $0x0  }
0xa8: {  	s5 =	sshll.u32 s28, $0x1;
	[dreg:$0x2] =	wrdreg s3  }
0xa9: {  	[dreg:$0x3] =	wrdreg s5  }
0xaa: {  	[dreg:$0x4] =	wrdreg $0xC0  }
0xab: {  	_ =	task [dreg:s7], $0x5FFFF  }
0xac: {  	[dreg:$0x1] =	wrdreg $0xFFFFFFFF  }
0xad: {  	[dreg:$0x0] =	wrdreg $0x60  }
0xae: {  	[dreg:$0x2] =	wrdreg s24  }
0xaf: {  	[dreg:$0x3] =	wrdreg s2  }
0xb0: {  	[dreg:$0x4] =	wrdreg $0x9  }
0xb1: {  	_ =	task.clear_ibuf [dreg:s7], $0x5FFFF;
	_ =	strace $0x90000046  }
0xb2: {  	s29 =	simm.s32 $0x9;
	_ =	strace $0x80000048  }
0xb3: {  	_ =	swait.ge [sflag:s29], $0x1  }
0xb4: {  	[sflag:s29] =	ssyncadd.s32 $0xFFFFFFFF  }
0xb5: {  	_ =	strace $0x90000048  }
0xb6: {  	_ =	sfence  }
0xb7: {  	s30 =	sld [smem:$0x0];
	_ =	sdelay $0x2  }
0xb8: {  	s31 =	sshll.u32 s1, $0xD;
	s1 =	sshrl.u32 s1, $0x2  }
0xb9: {  	s3 =	sand.u32 $0x4000, s31;
	s1 =	sadd.s32 s1, s30  }
0xba: {  	s0 =	sor.u32 s3, s0;
	s1 =	sshll.u32 s1, $0x11  }
0xbb: {  	s0 =	sor.u32 s1, s0  }
0xbc: {  	s0 =	sadd.s32 $0x8F2B, s0  }
0xbd: {  	[sflag:s0] =	ssyncadd.remote.s32 $0x1  }
0xbe: {  	_ =	sfence.sel $0xFFFF  }
0xbf: {  	[dreg:$0x0] =	wrdreg $0xFFFFFFFF;
	(pc) =	sbr.abs _section_cstart, $3  }
0xc0: {  	[dreg:$0x1] =	wrdreg $0xFFFFFFFF  }
0xc1: {  	_ =	task.clear_ibuf [dreg:s7], $0x2FFFF;
	_ =	strace $0x9FFFFFFF  }
0xc2: {  	(tm) =	ssettm $0x7FFFFFFF  }
0xc3: {  	_ =	shalt  }
tec
execute0_lowered:
.L_overlay_start_1:
0x0: {  	(tag) =	ssettag $0x1  }
0x1: {  	s2 =	rddreg [dreg:$0x0]  }
0x2: {  	s1 =	rddreg [dreg:$0x1];
	s3 =	simm.s32 $0x0  }
0x3: {  	s13 =	simm.s32 $0xB00;
	[smem:$0x7FF] =	sst s3  }
0x4: {  	s14 =	simm.s32 $0x1300;
	_ =	strace $0x80000047;
	[dreg:$0x4] =	wrdreg s13  }
0x5: {  	s15 =	simm.s32 $0x1B00;
	[dreg:$0x5] =	wrdreg s14  }
0x6: {  	s16 =	simm.s32 $0x2300;
	[dreg:$0x6] =	wrdreg s15  }
0x7: {  	s17 =	simm.s32 $0x2B00;
	[dreg:$0x7] =	wrdreg s16  }
0x8: {  	s18 =	simm.s32 $0x3300;
	[dreg:$0x8] =	wrdreg s17  }
0x9: {  	s19 =	simm.s32 $0x3B00;
	[dreg:$0x9] =	wrdreg s18  }
0xa: {  	s20 =	simm.s32 $0x4300;
	[dreg:$0xa] =	wrdreg s19  }
0xb: {  	s21 =	simm.s32 $0x4B00;
	[dreg:$0xb] =	wrdreg s20  }
0xc: {  	s22 =	simm.s32 $0x5300;
	[dreg:$0xc] =	wrdreg s21  }
0xd: {  	s23 =	simm.s32 $0x5B00;
	[dreg:$0xd] =	wrdreg s22  }
0xe: {  	s24 =	simm.s32 $0x6300;
	[dreg:$0xe] =	wrdreg s23  }
0xf: {  	s25 =	simm.s32 $0x6B00;
	[dreg:$0xf] =	wrdreg s24  }
0x10: {  	s26 =	simm.s32 $0x7300;
	[dreg:$0x10] =	wrdreg s25  }
0x11: {  	s29 =	simm.s32 $0x7B00;
	[dreg:$0x11] =	wrdreg s26  }
0x12: {  	s30 =	simm.s32 $0x8300;
	[dreg:$0x12] =	wrdreg s29  }
0x13: {  	s0 =	srdreg.scid;
	s31 =	simm.s32 $0x8B00;
	[dreg:$0x13] =	wrdreg s30  }
0x14: {  	s10 =	stileid.u32;
	s11 =	simm.s32 $0x9B00;
	[dreg:$0x14] =	wrdreg s31  }
0x15: {  	s28 =	simm.s32 $0x0;
	[dreg:$0x16] =	wrdreg s11;
	s13 =	simm.s32 $0x80  }
0x16: {  	s0 =	sand.u32 $0x1, s0;
	s15 =	simm.s32 $0x180;
	[dreg:$0x17] =	wrdreg s13  }
0x17: {  	s4 =	smul.u32 $0x64000, s10;
	s16 =	simm.s32 $0xAB00;
	[dreg:$0x18] =	wrdreg s15  }
0x18: {  	s8 =	sshll.u32 s10, $0x1;
	s17 =	simm.s32 $0xB300;
	[dreg:$0x19] =	wrdreg s16  }
0x19: {  	s10 =	smul.u32 $0x1900, s10;
	s18 =	simm.s32 $0xBB00;
	[dreg:$0x1a] =	wrdreg s17  }
0x1a: {  	s5 =	smul.u32 $0x32000, s0;
	s19 =	simm.s32 $0xC300;
	[dreg:$0x1b] =	wrdreg s18  }
0x1b: {  	s6 =	ssub.s32 $0x2, s0;
	s20 =	simm.s32 $0xCB00;
	[dreg:$0x1c] =	wrdreg s19  }
0x1c: {  	s8 =	sor.u32 s0, s8;
	s21 =	simm.s32 $0xD300;
	[dreg:$0x1d] =	wrdreg s20  }
0x1d: {  	s0 =	smul.u32 $0xC80, s0;
	s22 =	simm.s32 $0xDB00;
	[dreg:$0x1e] =	wrdreg s21  }
0x1e: {  	s23 =	simm.s32 $0xE300;
	s24 =	simm.s32 $0xEB00;
	[dreg:$0x1f] =	wrdreg s22  }
0x1f: {  	s25 =	simm.s32 $0xF300;
	s26 =	simm.s32 $0xFB00;
	[smem:$0x7F7] =	sst s23  }
0x20: {  	s29 =	simm.s32 $0x10300;
	s30 =	simm.s32 $0x10B00;
	[smem:$0x7F8] =	sst s24  }
0x21: {  	s31 =	simm.s32 $0x11300;
	s1 =	sadd.s32 s4, s1;
	[smem:$0x7F9] =	sst s25  }
0x22: {  	s4 =	sadd.s32 $0x3200, s2;
	s7 =	sshrl.u32 s6, $0x1;
	[smem:$0x7FA] =	sst s26  }
0x23: {  	s8 =	smul.u32 $0xC80, s8;
	s15 =	simm.s32 $0x300;
	[smem:$0x7FB] =	sst s29  }
0x24: {  	s16 =	simm.s32 $0x3;
	[smem:$0x7FC] =	sst s30;
	s17 =	simm.s32 $0x2  }
0x25: {  	s18 =	simm.s32 $0xA300;
	[smem:$0x7FD] =	sst s31;
	s19 =	simm.s32 $0x11B00  }
0x26: {  	s20 =	simm.s32 $0x12300;
	s21 =	simm.s32 $0x12B00;
	s22 =	simm.s32 $0x13300  }
0x27: {  	s23 =	simm.s32 $0x13B00;
	s24 =	simm.s32 $0x4;
	s25 =	simm.s32 $0x5  }
0x28: {  	s26 =	simm.s32 $0x6;
	s1 =	sadd.s32 s5, s1;
	s5 =	sadd.s32 $0x6400, s2  }
0x29: {  	s9 =	ssub.s32 s6, s7;
	s7 =	simm.s32 $0x9300;
	[dreg:$0x3] =	wrdreg s1  }
0x2a: {  	s0 =	sadd.s32 s0, s10;
	s8 =	sshrl.u32 s8, $0x3;
	[dreg:$0x15] =	wrdreg s7  }
0x2b: {  	s9 =	smax.u32 s9, $0x1;
	s10 =	sadd.s32 $0xA0, s0;
	s12 =	sadd.s32 s4, s8  }
0x2c: {  	v2 =	vlaneseq.u32;
	s0 =	sor.u32 $0x50, s0;
	s14 =	sadd.s32 s2, s8;
	[smem:$0x7F5] =	sst s12  }
0x2d: {  	vm0 =	vmmov $0xffff;
	v1 =	vshrl.u32 v2, $0x3;
	s8 =	sadd.s32 $0x6500, s2;
	s0 =	sshrl.u32 s0, $0x3;
	[smem:$0x7F6] =	sst s14  }
0x2e: {  	v0 =	vand.u32 $0x7, v2;
	v2 =	vor.u32 $0x8, v2;
	v1 =	vmul.u32 $0x8, v1;
	s11 =	sadd.s32 s0, s2;
	s12 =	sadd.s32 s0, s4;
	s14 =	simm.s32 $0x1  }
.LBB2_1:
0x2f: {  	s0 =	sld [smem:$0x7F5];
	_ =	sdelay $0x1  }
0x30: {  	s13 =	sld [smem:$0x7F6]  }
0x31: {  	[tilespmem:s3], [sflag:$0x1] =	stream.linear.gather [hbm4b:s0+s3], $0x50, $0x38;
	[tilespmem:$0x14300] =	vst v63  }
0x32: {  	s1 =	simm.s32 $0x100;
	s29 =	smov.u32 s12  }
0x33: {  	[tilespmem:s1], [sflag:$0x1] =	stream.linear.gather [hbm4b:s13+s3], $0x50, $0x38;
	[tilespmem:$0x14300] =	vst v63  }
0x34: {  	s30 =	smov.u32 s11;
	s31 =	smov.u32 s10;
	s1 =	simm.s32 $0x0  }
.LBB2_2:
0x35: {  	_ =	swait.ge [sflag:s14], $0x50  }
0x36: {  	[sflag:s14] =	ssyncset.done $0x0  }
0x37: {  	[sflag:s14] =	ssyncadd.s32 $0xFFFFFFB0  }
0x38: {  	_ =	swait.ge [sflag:s14], $0x50  }
0x39: {  	[sflag:s14] =	ssyncset.done $0x0  }
0x3a: {  	[sflag:s14] =	ssyncadd.s32 $0xFFFFFFB0  }
0x3b: {  	v3 =	vld [tilespmem:$0x0]  }
0x3c: {  	v6 =	vld [tilespmem:$0x100]  }
0x3d: {  	v58 =	vld [tilespmem:$0x10]  }
0x3e: {  	v10 =	vld [tilespmem:$0x110];
	_ =	sdelay $0x1  }
0x3f: {  	v63 =	vld [tilespmem:$0x20];
	v4 =	vand.u32 $0xFF, v3;
	v5 =	vshrl.u32 v3, $0x8;
	v7 =	vshrl.u32 v3, $0x10  }
0x40: {  	v20 =	vld [tilespmem:$0x120];
	v3 =	vshrl.u32 v3, $0x18;
	v59 =	vshrl.u32 v6, $0x8;
	v60 =	vand.u32 $0xFF, v6  }
0x41: {  	v24 =	vld [tilespmem:$0x30];
	v8 =	vshrl.u32 v6, $0x10;
	v6 =	vshrl.u32 v6, $0x18;
	v61 =	vand.u32 $0xFF, v58  }
0x42: {  	v14 =	vld [tilespmem:$0x130];
	v9 =	vshrl.u32 v58, $0x8;
	v11 =	vshrl.u32 v58, $0x10;
	v16 =	vshrl.u32 v10, $0x8  }
0x43: {  	v32 =	vld [tilespmem:$0x40];
	v17 =	vand.u32 $0xFF, v10;
	v18 =	vshrl.u32 v10, $0x10;
	v19 =	vshrl.u32 v10, $0x18  }
0x44: {  	v41 =	vld [tilespmem:$0x140];
	v21 =	vand.u32 $0xFF, v63;
	v22 =	vshrl.u32 v63, $0x8;
	v12 =	vshrl.u32 v63, $0x10  }
0x45: {  	v25 =	vand.u32 $0xFF, v20;
	v26 =	vshrl.u32 v20, $0x8;
	v13 =	vshrl.u32 v20, $0x10  }
0x46: {  	v10 =	vshrl.u32 v20, $0x18;
	v28 =	vand.u32 $0xFF, v24;
	v29 =	vshrl.u32 v24, $0x8  }
0x47: {  	v30 =	vshrl.u32 v24, $0x10;
	v35 =	vand.u32 $0xFF, v14;
	v36 =	vshrl.u32 v14, $0x8  }
0x48: {  	v37 =	vshrl.u32 v14, $0x10;
	v38 =	vshrl.u32 v14, $0x18;
	v39 =	vand.u32 $0xFF, v32  }
0x49: {  	v40 =	vshrl.u32 v32, $0x8;
	v42 =	vshrl.u32 v32, $0x10;
	v44 =	vshrl.u32 v41, $0x8  }
0x4a: {  	v45 =	vshrl.u32 v41, $0x10;
	v46 =	vand.u32 $0xFF, v41;
	v47 =	vshrl.u32 v41, $0x18  }
0x4b: {  	v5 =	vand.u32 $0xFF, v5;
	v4 =	vmul.u32 $0x1B, v4;
	v7 =	vand.u32 $0xFF, v7  }
0x4c: {  	v8 =	vand.u32 $0xFF, v8;
	v9 =	vand.u32 $0xFF, v9;
	v11 =	vand.u32 $0xFF, v11  }
0x4d: {  	v12 =	vand.u32 $0xFF, v12;
	v13 =	vand.u32 $0xFF, v13;
	v14 =	vand.u32 $0xFF, v42  }
0x4e: {  	v5 =	vmul.u32 $0x9, v5;
	v7 =	vmul.u32 $0x3, v7;
	v8 =	vmul.u32 $0x3, v8  }
0x4f: {  	v9 =	vmul.u32 $0x9, v9;
	v62 =	vmul.u32 $0x3, v11;
	v11 =	vand.u32 $0xFF, v22  }
0x50: {  	v23 =	vmul.u32 $0x3, v12;
	v12 =	vand.u32 $0xFF, v26;
	v3 =	vadd.s32 v3, v4  }
0x51: {  	v27 =	vmul.u32 $0x3, v13;
	v13 =	vand.u32 $0xFF, v30;
	v3 =	vadd.s32 v5, v3  }
0x52: {  	v43 =	vmul.u32 $0x3, v14;
	v3 =	vadd.s32 v7, v3;
	v7 =	vmul.u32 $0x1B, v60  }
0x53: {  	v4 =	vshrl.u32 v58, $0x18;
	v11 =	vmul.u32 $0x9, v11;
	v5 =	vand.u32 $0xFF, v59  }
0x54: {  	v5 =	vmul.u32 $0x9, v5;
	v6 =	vadd.s32 v6, v7;
	v7 =	vmul.u32 $0x1B, v61  }
0x55: {  	v12 =	vmul.u32 $0x9, v12;
	v13 =	vmul.u32 $0x3, v13;
	v3 =	vmul.u32 $0x51, v3  }
0x56: {  	v5 =	vadd.s32 v5, v6;
	v6 =	vmul.u32 $0x1B, v17;
	v4 =	vadd.s32 v4, v7  }
0x57: {  	v5 =	vadd.s32 v8, v5;
	v8 =	vand.u32 $0xFF, v18;
	v7 =	vshrl.u32 v63, $0x18  }
0x58: {  	v4 =	vadd.s32 v9, v4;
	v3 =	vadd.s32 v3, v5;
	v5 =	vand.u32 $0xFF, v16  }
0x59: {  	v8 =	vmul.u32 $0x3, v8;
	v6 =	vadd.s32 v19, v6;
	v9 =	vmul.u32 $0x1B, v21  }
0x5a: {  	v4 =	vadd.s32 v62, v4;
	v5 =	vmul.u32 $0x9, v5;
	v48 =	vshll.u32 v3, $0x2  }
0x5b: {  	v49 =	vand.u32 $0x7, v3;
	v4 =	vmul.u32 $0x51, v4;
	v7 =	vadd.s32 v7, v9  }
0x5c: {  	v5 =	vadd.s32 v5, v6;
	v7 =	vadd.s32 v11, v7;
	v11 =	vmul.u32 $0x1B, v25  }
0x5d: {  	v9 =	vshrl.u32 v24, $0x18;
	v6 =	vadd.s32 v23, v7;
	v5 =	vadd.s32 v8, v5  }
0x5e: {  	v8 =	vand.u32 $0xFF, v36;
	v10 =	vadd.s32 v10, v11;
	v11 =	vmul.u32 $0x1B, v28  }
0x5f: {  	v6 =	vmul.u32 $0x51, v6;
	v10 =	vadd.s32 v12, v10;
	v12 =	vand.u32 $0xFF, v29  }
0x60: {  	v4 =	vadd.s32 v4, v5;
	v8 =	vmul.u32 $0x9, v8;
	v12 =	vmul.u32 $0x9, v12  }
0x61: {  	v9 =	vadd.s32 v9, v11;
	v7 =	vadd.s32 v27, v10;
	v10 =	vand.u32 $0xFF, v37  }
0x62: {  	v11 =	vmul.u32 $0x1B, v39;
	v33 =	vadd.s32 v6, v7;
	v7 =	vmul.u32 $0x1B, v35  }
0x63: {  	v10 =	vmul.u32 $0x3, v10;
	v31 =	vadd.s32 v12, v9;
	v12 =	vand.u32 $0xFF, v40  }
0x64: {  	v9 =	vshrl.u32 v32, $0x18;
	v34 =	vadd.s32 v13, v31;
	v12 =	vmul.u32 $0x9, v12  }
0x65: {  	v7 =	vadd.s32 v38, v7;
	v9 =	vadd.s32 v9, v11;
	v11 =	vmul.u32 $0x1B, v46  }
0x66: {  	v13 =	vand.u32 $0x7FFFFFE0, v48;
	v7 =	vadd.s32 v8, v7;
	v9 =	vadd.s32 v12, v9  }
0x67: {  	v6 =	vmul.u32 $0x51, v34;
	v8 =	vadd.s32 v43, v9;
	v9 =	vand.u32 $0xFF, v44  }
0x68: {  	v7 =	vadd.s32 v10, v7;
	v10 =	vand.u32 $0xFF, v45;
	v9 =	vmul.u32 $0x9, v9  }
0x69: {  	[tilespmem:$0x200] =	vst v3;
	v51 =	vor.u32 v49, v13;
	v50 =	vadd.s32 v47, v11;
	v3 =	vmul.u32 $0x3, v10  }
0x6a: {  	[tilespmem:$0x210] =	vst v4;
	v54 =	vperm.xlane v51, v0;
	v52 =	vmul.u32 $0x51, v8;
	v53 =	vadd.s32 v9, v50  }
0x6b: {  	[tilespmem:$0x220] =	vst v33;
	v55 =	vadd.s32 v6, v7;
	v3 =	vadd.s32 v3, v53  }
0x6c: {  	p0 =	seq.s32 s1, $0x0;
	[tilespmem:$0x230] =	vst v55;
	v56 =	vadd.s32 v1, v54;
	v3 =	vadd.s32 v52, v3  }
0x6d: {  	s0 =	simm.s32 @!p0 $0x5;
	[tilespmem:$0x240] =	vst v3  }
0x6e: {  	v3 =	vperm.xlane v51, v2;
	_ =	swait.ge @!p0 [sflag:s0], $0xA000  }
0x6f: {  	[sflag:s0] =	ssyncset.done @!p0 $0x0  }
0x70: {  	v3 =	vadd.s32 v1, v3;
	[sflag:s0] =	ssyncadd.s32 @!p0 $0xFFFF6000  }
0x71: {  	[tilespmem:s15], [sflag:$0x3] =	stream.indirect_vreg.gather [hbm4b:s5+s3], $0x80, v56, vm0, $0xb8;
	[tilespmem:$0x14300] =	vst v63  }
0x72: {  	s6 =	rddreg [dreg:$0x4]  }
0x73: {  	[tilespmem:s6], [sflag:$0x3] =	stream.indirect_vreg.gather [hbm4b:s8+s3], $0x80, v56, vm0, $0xb8;
	[tilespmem:$0x14300] =	vst v63  }
0x74: {  	s13 =	rddreg [dreg:$0x5]  }
0x75: {  	[tilespmem:s13], [sflag:$0x3] =	stream.indirect_vreg.gather [hbm4b:s5+s3], $0x80, v3, vm0, $0xb8;
	[tilespmem:$0x14300] =	vst v63  }
0x76: {  	s7 =	rddreg [dreg:$0x6]  }
0x77: {  	[tilespmem:s7], [sflag:$0x3] =	stream.indirect_vreg.gather [hbm4b:s8+s3], $0x80, v3, vm0, $0xb8;
	[tilespmem:$0x14300] =	vst v63  }
0x78: {  	v3 =	vld [tilespmem:$0x210];
	_ =	sdelay $0x4  }
0x79: {  	v57 =	vshll.u32 v3, $0x2  }
0x7a: {  	v3 =	vand.u32 $0x7, v3;
	v4 =	vand.u32 $0xFFFFFFE0, v57  }
0x7b: {  	v3 =	vor.u32 v3, v4  }
0x7c: {  	v4 =	vperm.xlane v3, v0;
	_ =	sdelay $0x1  }
0x7d: {  	v4 =	vadd.s32 v1, v4;
	_ =	sdelay $0x1  }
0x7e: {  	v3 =	vperm.xlane v3, v2;
	_ =	sdelay $0x1  }
0x7f: {  	s6 =	rddreg [dreg:$0x7];
	v3 =	vadd.s32 v1, v3  }
0x80: {  	[tilespmem:s6], [sflag:$0x3] =	stream.indirect_vreg.gather [hbm4b:s5+s3], $0x80, v4, vm0, $0xb8;
	[tilespmem:$0x14300] =	vst v63  }
0x81: {  	s7 =	rddreg [dreg:$0x8]  }
0x82: {  	[tilespmem:s7], [sflag:$0x3] =	stream.indirect_vreg.gather [hbm4b:s8+s3], $0x80, v4, vm0, $0xb8;
	[tilespmem:$0x14300] =	vst v63  }
0x83: {  	s6 =	rddreg [dreg:$0x9]  }
0x84: {  	[tilespmem:s6], [sflag:$0x3] =	stream.indirect_vreg.gather [hbm4b:s5+s3], $0x80, v3, vm0, $0xb8;
	[tilespmem:$0x14300] =	vst v63  }
0x85: {  	s7 =	rddreg [dreg:$0xa]  }
0x86: {  	[tilespmem:s7], [sflag:$0x3] =	stream.indirect_vreg.gather [hbm4b:s8+s3], $0x80, v3, vm0, $0xb8;
	[tilespmem:$0x14300] =	vst v63  }
0x87: {  	v3 =	vld [tilespmem:$0x220];
	_ =	sdelay $0x4  }
0x88: {  	v58 =	vshll.u32 v3, $0x2  }
0x89: {  	v3 =	vand.u32 $0x7, v3;
	v4 =	vand.u32 $0xFFFFFFE0, v58  }
0x8a: {  	v3 =	vor.u32 v3, v4  }
0x8b: {  	v4 =	vperm.xlane v3, v0;
	_ =	sdelay $0x1  }
0x8c: {  	v4 =	vadd.s32 v1, v4;
	_ =	sdelay $0x1  }
0x8d: {  	v3 =	vperm.xlane v3, v2;
	_ =	sdelay $0x1  }
0x8e: {  	s6 =	rddreg [dreg:$0xb];
	v3 =	vadd.s32 v1, v3  }
0x8f: {  	[tilespmem:s6], [sflag:$0x3] =	stream.indirect_vreg.gather [hbm4b:s5+s3], $0x80, v4, vm0, $0xb8;
	[tilespmem:$0x14300] =	vst v63  }
0x90: {  	s7 =	rddreg [dreg:$0xc]  }
0x91: {  	[tilespmem:s7], [sflag:$0x3] =	stream.indirect_vreg.gather [hbm4b:s8+s3], $0x80, v4, vm0, $0xb8;
	[tilespmem:$0x14300] =	vst v63  }
0x92: {  	s6 =	rddreg [dreg:$0xd]  }
0x93: {  	[tilespmem:s6], [sflag:$0x3] =	stream.indirect_vreg.gather [hbm4b:s5+s3], $0x80, v3, vm0, $0xb8;
	[tilespmem:$0x14300] =	vst v63  }
0x94: {  	s7 =	rddreg [dreg:$0xe]  }
0x95: {  	[tilespmem:s7], [sflag:$0x3] =	stream.indirect_vreg.gather [hbm4b:s8+s3], $0x80, v3, vm0, $0xb8;
	[tilespmem:$0x14300] =	vst v63  }
0x96: {  	v3 =	vld [tilespmem:$0x230];
	_ =	sdelay $0x4  }
0x97: {  	v59 =	vshll.u32 v3, $0x2  }
0x98: {  	v3 =	vand.u32 $0x7, v3;
	v4 =	vand.u32 $0xFFFFFFE0, v59  }
0x99: {  	v3 =	vor.u32 v3, v4  }
0x9a: {  	v4 =	vperm.xlane v3, v0;
	_ =	sdelay $0x1  }
0x9b: {  	v4 =	vadd.s32 v1, v4;
	_ =	sdelay $0x1  }
0x9c: {  	v3 =	vperm.xlane v3, v2;
	_ =	sdelay $0x1  }
0x9d: {  	s6 =	rddreg [dreg:$0xf];
	v3 =	vadd.s32 v1, v3  }
0x9e: {  	[tilespmem:s6], [sflag:$0x3] =	stream.indirect_vreg.gather [hbm4b:s5+s3], $0x80, v4, vm0, $0xb8;
	[tilespmem:$0x14300] =	vst v63  }
0x9f: {  	s7 =	rddreg [dreg:$0x10]  }
0xa0: {  	[tilespmem:s7], [sflag:$0x3] =	stream.indirect_vreg.gather [hbm4b:s8+s3], $0x80, v4, vm0, $0xb8;
	[tilespmem:$0x14300] =	vst v63  }
0xa1: {  	s6 =	rddreg [dreg:$0x11]  }
0xa2: {  	[tilespmem:s6], [sflag:$0x3] =	stream.indirect_vreg.gather [hbm4b:s5+s3], $0x80, v3, vm0, $0xb8;
	[tilespmem:$0x14300] =	vst v63  }
0xa3: {  	s7 =	rddreg [dreg:$0x12]  }
0xa4: {  	[tilespmem:s7], [sflag:$0x3] =	stream.indirect_vreg.gather [hbm4b:s8+s3], $0x80, v3, vm0, $0xb8;
	[tilespmem:$0x14300] =	vst v63  }
0xa5: {  	v3 =	vld [tilespmem:$0x240];
	_ =	sdelay $0x4  }
0xa6: {  	v60 =	vshll.u32 v3, $0x2  }
0xa7: {  	v3 =	vand.u32 $0x7, v3;
	v4 =	vand.u32 $0xFFFFFFE0, v60  }
0xa8: {  	v3 =	vor.u32 v3, v4  }
0xa9: {  	v4 =	vperm.xlane v3, v0;
	_ =	sdelay $0x1  }
0xaa: {  	v4 =	vadd.s32 v1, v4;
	_ =	sdelay $0x1  }
0xab: {  	v3 =	vperm.xlane v3, v2;
	_ =	sdelay $0x1  }
0xac: {  	s6 =	rddreg [dreg:$0x13];
	v3 =	vadd.s32 v1, v3  }
0xad: {  	[tilespmem:s6], [sflag:$0x3] =	stream.indirect_vreg.gather [hbm4b:s5+s3], $0x80, v4, vm0, $0xb8;
	[tilespmem:$0x14300] =	vst v63  }
0xae: {  	s7 =	rddreg [dreg:$0x14]  }
0xaf: {  	[tilespmem:s7], [sflag:$0x3] =	stream.indirect_vreg.gather [hbm4b:s8+s3], $0x80, v4, vm0, $0xb8;
	[tilespmem:$0x14300] =	vst v63  }
0xb0: {  	s6 =	rddreg [dreg:$0x15]  }
0xb1: {  	[tilespmem:s6], [sflag:$0x3] =	stream.indirect_vreg.gather [hbm4b:s5+s3], $0x80, v3, vm0, $0xb8;
	[tilespmem:$0x14300] =	vst v63  }
0xb2: {  	s7 =	rddreg [dreg:$0x16]  }
0xb3: {  	[tilespmem:s7], [sflag:$0x3] =	stream.indirect_vreg.gather [hbm4b:s8+s3], $0x80, v3, vm0, $0xb8;
	[tilespmem:$0x14300] =	vst v63  }
0xb4: {  	s6 =	rddreg [dreg:$0x17]  }
0xb5: {  	[tilespmem:s6], [sflag:$0x2] =	stream.linear.gather [hbm4b:s29+s3], $0x50, $0x38;
	[tilespmem:$0x14300] =	vst v63  }
0xb6: {  	s7 =	rddreg [dreg:$0x18]  }
0xb7: {  	[tilespmem:s7], [sflag:$0x2] =	stream.linear.gather [hbm4b:s30+s3], $0x50, $0x38;
	[tilespmem:$0x14300] =	vst v63  }
0xb8: {  	_ =	swait.ge [sflag:s16], $0xA000  }
0xb9: {  	s6 =	rddreg [dreg:$0x3];
	[sflag:s16] =	ssyncset.done $0x0  }
0xba: {  	[sflag:s16] =	ssyncadd.s32 $0xFFFF6000;
	s0 =	sadd.s32 s1, s6  }
0xbb: {  	[hbm4b:s0+s3] =	stream.linear.scatter [tilespmem:s15], [sflag:$0x5], $0xA000, $0x38;
	[tilespmem:$0x14300] =	vst v63  }
0xbc: {  	_ =	swait.ge [sflag:s17], $0x50  }
0xbd: {  	[sflag:s17] =	ssyncset.done $0x0  }
0xbe: {  	[sflag:s17] =	ssyncadd.s32 $0xFFFFFFB0  }
0xbf: {  	_ =	swait.ge [sflag:s17], $0x50  }
0xc0: {  	[sflag:s17] =	ssyncset.done $0x0  }
0xc1: {  	[sflag:s17] =	ssyncadd.s32 $0xFFFFFFB0  }
0xc2: {  	v3 =	vld [tilespmem:$0x80];
	_ =	sdelay $0x1  }
0xc3: {  	v63 =	vld [tilespmem:$0x180]  }
0xc4: {  	v13 =	vld [tilespmem:$0x90]  }
0xc5: {  	v19 =	vld [tilespmem:$0x190]  }
0xc6: {  	v22 =	vld [tilespmem:$0xA0];
	v61 =	vand.u32 $0xFF, v3  }
0xc7: {  	v26 =	vld [tilespmem:$0x1A0];
	v62 =	vshrl.u32 v3, $0x8;
	v12 =	vshrl.u32 v3, $0x10;
	v3 =	vshrl.u32 v3, $0x18  }
0xc8: {  	v33 =	vld [tilespmem:$0xB0];
	v14 =	vand.u32 $0xFF, v63;
	v15 =	vshrl.u32 v63, $0x8;
	v16 =	vshrl.u32 v63, $0x10  }
0xc9: {  	v37 =	vld [tilespmem:$0x1B0];
	v6 =	vshrl.u32 v63, $0x18;
	v17 =	vand.u32 $0xFF, v13;
	v18 =	vshrl.u32 v13, $0x8  }
0xca: {  	v41 =	vld [tilespmem:$0xC0];
	v20 =	vshrl.u32 v13, $0x10;
	v23 =	vand.u32 $0xFF, v19;
	v24 =	vshrl.u32 v19, $0x8  }
0xcb: {  	v49 =	vld [tilespmem:$0x1C0];
	v25 =	vshrl.u32 v19, $0x10;
	v9 =	vshrl.u32 v19, $0x18;
	v27 =	vand.u32 $0xFF, v22  }
0xcc: {  	v28 =	vshrl.u32 v22, $0x8;
	v29 =	vshrl.u32 v22, $0x10;
	v31 =	vand.u32 $0xFF, v26  }
0xcd: {  	v32 =	vshrl.u32 v26, $0x8;
	v34 =	vshrl.u32 v26, $0x10;
	v38 =	vand.u32 $0xFF, v33  }
0xce: {  	v39 =	vshrl.u32 v33, $0x8;
	v40 =	vshrl.u32 v33, $0x10;
	v43 =	vand.u32 $0xFF, v37  }
0xcf: {  	v44 =	vshrl.u32 v37, $0x8;
	v46 =	vshrl.u32 v37, $0x10;
	v47 =	vand.u32 $0xFF, v41  }
0xd0: {  	v48 =	vshrl.u32 v41, $0x8;
	v50 =	vshrl.u32 v41, $0x10;
	v53 =	vand.u32 $0xFF, v49  }
0xd1: {  	v54 =	vshrl.u32 v49, $0x8;
	v55 =	vshrl.u32 v49, $0x10;
	v5 =	vand.u32 $0xFF, v62  }
0xd2: {  	v4 =	vmul.u32 $0x1B, v61;
	v7 =	vand.u32 $0xFF, v12;
	v8 =	vand.u32 $0xFF, v16  }
0xd3: {  	v10 =	vand.u32 $0xFF, v20;
	v11 =	vand.u32 $0xFF, v29;
	v12 =	vand.u32 $0xFF, v34  }
0xd4: {  	v45 =	vand.u32 $0xFF, v44;
	v5 =	vmul.u32 $0x9, v5;
	v7 =	vmul.u32 $0x3, v7  }
0xd5: {  	v8 =	vmul.u32 $0x3, v8;
	v21 =	vmul.u32 $0x3, v10;
	v10 =	vand.u32 $0xFF, v28  }
0xd6: {  	v30 =	vmul.u32 $0x3, v11;
	v35 =	vmul.u32 $0x3, v12;
	v3 =	vadd.s32 v3, v4  }
0xd7: {  	v11 =	vshrl.u32 v33, $0x18;
	v12 =	vshrl.u32 v41, $0x18;
	v3 =	vadd.s32 v5, v3  }
0xd8: {  	v5 =	vmul.u32 $0x1B, v14;
	v3 =	vadd.s32 v7, v3;
	v7 =	vand.u32 $0xFF, v15  }
0xd9: {  	v4 =	vshrl.u32 v13, $0x18;
	v10 =	vmul.u32 $0x9, v10;
	v7 =	vmul.u32 $0x9, v7  }
0xda: {  	v13 =	vshrl.u32 v49, $0x18;
	v14 =	vand.u32 $0xFF, v50;
	v5 =	vadd.s32 v6, v5  }
0xdb: {  	v6 =	vmul.u32 $0x1B, v17;
	v5 =	vadd.s32 v7, v5;
	v7 =	vand.u32 $0xFF, v18  }
0xdc: {  	v51 =	vmul.u32 $0x3, v14;
	v3 =	vmul.u32 $0x51, v3;
	v7 =	vmul.u32 $0x9, v7  }
0xdd: {  	v4 =	vadd.s32 v4, v6;
	v6 =	vmul.u32 $0x1B, v23;
	v5 =	vadd.s32 v8, v5  }
0xde: {  	v8 =	vand.u32 $0xFF, v25;
	v4 =	vadd.s32 v7, v4;
	v7 =	vand.u32 $0xFF, v24  }
0xdf: {  	v3 =	vadd.s32 v3, v5;
	v8 =	vmul.u32 $0x3, v8;
	v7 =	vmul.u32 $0x9, v7  }
0xe0: {  	v6 =	vadd.s32 v9, v6;
	v5 =	vshrl.u32 v22, $0x18;
	v4 =	vadd.s32 v21, v4  }
0xe1: {  	v4 =	vmul.u32 $0x51, v4;
	v6 =	vadd.s32 v7, v6;
	v7 =	vmul.u32 $0x1B, v27  }
0xe2: {  	v9 =	vshrl.u32 v26, $0x18;
	v6 =	vadd.s32 v8, v6;
	v8 =	vmul.u32 $0x1B, v38  }
0xe3: {  	v5 =	vadd.s32 v5, v7;
	v7 =	vmul.u32 $0x1B, v31;
	v4 =	vadd.s32 v4, v6  }
0xe4: {  	v5 =	vadd.s32 v10, v5;
	v10 =	vand.u32 $0xFF, v32;
	v8 =	vadd.s32 v11, v8  }
0xe5: {  	v10 =	vmul.u32 $0x9, v10;
	v7 =	vadd.s32 v9, v7;
	v9 =	vand.u32 $0xFF, v39  }
0xe6: {  	v11 =	vand.u32 $0xFF, v48;
	v5 =	vadd.s32 v30, v5;
	v9 =	vmul.u32 $0x9, v9  }
0xe7: {  	v11 =	vmul.u32 $0x9, v11;
	v5 =	vmul.u32 $0x51, v5;
	v36 =	vadd.s32 v10, v7  }
0xe8: {  	v10 =	vand.u32 $0xFF, v40;
	v8 =	vadd.s32 v9, v8;
	v9 =	vmul.u32 $0x1B, v43  }
0xe9: {  	v7 =	vshrl.u32 v37, $0x18;
	v6 =	vadd.s32 v35, v36;
	v42 =	vmul.u32 $0x3, v10  }
0xea: {  	v10 =	vand.u32 $0xFF, v46;
	v7 =	vadd.s32 v7, v9;
	v9 =	vmul.u32 $0x1B, v47  }
0xeb: {  	v5 =	vadd.s32 v5, v6;
	v10 =	vmul.u32 $0x3, v10;
	v6 =	vadd.s32 v42, v8  }
0xec: {  	v8 =	vmul.u32 $0x9, v45;
	v6 =	vmul.u32 $0x51, v6;
	v9 =	vadd.s32 v12, v9  }
0xed: {  	v52 =	vadd.s32 v11, v9;
	v11 =	vand.u32 $0xFF, v54;
	v9 =	vmul.u32 $0x1B, v53  }
0xee: {  	v7 =	vadd.s32 v8, v7;
	v12 =	vand.u32 $0xFF, v55;
	v11 =	vmul.u32 $0x9, v11  }
0xef: {  	[tilespmem:$0x280] =	vst v3;
	v56 =	vmul.u32 $0x3, v12;
	v8 =	vadd.s32 v51, v52;
	v3 =	vadd.s32 v13, v9  }
0xf0: {  	[tilespmem:$0x290] =	vst v4;
	v57 =	vadd.s32 v10, v7;
	v58 =	vmul.u32 $0x51, v8;
	v3 =	vadd.s32 v11, v3  }
0xf1: {  	[tilespmem:$0x2A0] =	vst v5;
	v4 =	vadd.s32 v6, v57;
	v3 =	vadd.s32 v56, v3  }
0xf2: {  	[tilespmem:$0x2B0] =	vst v4;
	v3 =	vadd.s32 v58, v3  }
0xf3: {  	s13 =	simm.s32 @!p0 $0x6;
	[tilespmem:$0x2C0] =	vst v3  }
0xf4: {  	_ =	swait.ge @!p0 [sflag:s13], $0xA000  }
0xf5: {  	[sflag:s13] =	ssyncset.done @!p0 $0x0  }
0xf6: {  	[sflag:s13] =	ssyncadd.s32 @!p0 $0xFFFF6000  }
0xf7: {  	v3 =	vld [tilespmem:$0x280];
	_ =	sdelay $0x4  }
0xf8: {  	v59 =	vshll.u32 v3, $0x2  }
0xf9: {  	v3 =	vand.u32 $0x7, v3;
	v4 =	vand.u32 $0xFFFFFFE0, v59  }
0xfa: {  	v3 =	vor.u32 v3, v4  }
0xfb: {  	v4 =	vperm.xlane v3, v0;
	_ =	sdelay $0x1  }
0xfc: {  	v4 =	vadd.s32 v1, v4;
	_ =	sdelay $0x1  }
0xfd: {  	v3 =	vperm.xlane v3, v2;
	_ =	sdelay $0x1  }
0xfe: {  	v3 =	vadd.s32 v1, v3  }
0xff: {  	[tilespmem:s18], [sflag:$0x4] =	stream.indirect_vreg.gather [hbm4b:s5+s3], $0x80, v4, vm0, $0xb8;
	[tilespmem:$0x14300] =	vst v63  }
0x100: {  	s7 =	rddreg [dreg:$0x19]  }
0x101: {  	[tilespmem:s7], [sflag:$0x4] =	stream.indirect_vreg.gather [hbm4b:s8+s3], $0x80, v4, vm0, $0xb8;
	[tilespmem:$0x14300] =	vst v63  }
0x102: {  	s6 =	rddreg [dreg:$0x1a]  }
0x103: {  	[tilespmem:s6], [sflag:$0x4] =	stream.indirect_vreg.gather [hbm4b:s5+s3], $0x80, v3, vm0, $0xb8;
	[tilespmem:$0x14300] =	vst v63  }
0x104: {  	s7 =	rddreg [dreg:$0x1b]  }
0x105: {  	[tilespmem:s7], [sflag:$0x4] =	stream.indirect_vreg.gather [hbm4b:s8+s3], $0x80, v3, vm0, $0xb8;
	[tilespmem:$0x14300] =	vst v63  }
0x106: {  	v3 =	vld [tilespmem:$0x290];
	_ =	sdelay $0x4  }
0x107: {  	v60 =	vshll.u32 v3, $0x2  }
0x108: {  	v3 =	vand.u32 $0x7, v3;
	v4 =	vand.u32 $0xFFFFFFE0, v60  }
0x109: {  	v3 =	vor.u32 v3, v4  }
0x10a: {  	v4 =	vperm.xlane v3, v0;
	_ =	sdelay $0x1  }
0x10b: {  	v4 =	vadd.s32 v1, v4;
	_ =	sdelay $0x1  }
0x10c: {  	v3 =	vperm.xlane v3, v2;
	_ =	sdelay $0x1  }
0x10d: {  	s13 =	rddreg [dreg:$0x1c];
	v3 =	vadd.s32 v1, v3  }
0x10e: {  	[tilespmem:s13], [sflag:$0x4] =	stream.indirect_vreg.gather [hbm4b:s5+s3], $0x80, v4, vm0, $0xb8;
	[tilespmem:$0x14300] =	vst v63  }
0x10f: {  	s7 =	rddreg [dreg:$0x1d]  }
0x110: {  	[tilespmem:s7], [sflag:$0x4] =	stream.indirect_vreg.gather [hbm4b:s8+s3], $0x80, v4, vm0, $0xb8;
	[tilespmem:$0x14300] =	vst v63  }
0x111: {  	s6 =	rddreg [dreg:$0x1e]  }
0x112: {  	[tilespmem:s6], [sflag:$0x4] =	stream.indirect_vreg.gather [hbm4b:s5+s3], $0x80, v3, vm0, $0xb8;
	[tilespmem:$0x14300] =	vst v63  }
0x113: {  	s7 =	rddreg [dreg:$0x1f]  }
0x114: {  	[tilespmem:s7], [sflag:$0x4] =	stream.indirect_vreg.gather [hbm4b:s8+s3], $0x80, v3, vm0, $0xb8;
	[tilespmem:$0x14300] =	vst v63  }
0x115: {  	v3 =	vld [tilespmem:$0x2A0];
	_ =	sdelay $0x4  }
0x116: {  	v61 =	vshll.u32 v3, $0x2  }
0x117: {  	v3 =	vand.u32 $0x7, v3;
	v4 =	vand.u32 $0xFFFFFFE0, v61  }
0x118: {  	v3 =	vor.u32 v3, v4  }
0x119: {  	v4 =	vperm.xlane v3, v0;
	_ =	sdelay $0x1  }
0x11a: {  	v4 =	vadd.s32 v1, v4;
	_ =	sdelay $0x1  }
0x11b: {  	s13 =	sld [smem:$0x7F7];
	v3 =	vperm.xlane v3, v2;
	_ =	sdelay $0x1  }
0x11c: {  	s7 =	sld [smem:$0x7F8];
	v3 =	vadd.s32 v1, v3  }
0x11d: {  	[tilespmem:s13], [sflag:$0x4] =	stream.indirect_vreg.gather [hbm4b:s5+s3], $0x80, v4, vm0, $0xb8;
	[tilespmem:$0x14300] =	vst v63  }
0x11e: {  	s6 =	sld [smem:$0x7F9]  }
0x11f: {  	[tilespmem:s7], [sflag:$0x4] =	stream.indirect_vreg.gather [hbm4b:s8+s3], $0x80, v4, vm0, $0xb8;
	[tilespmem:$0x14300] =	vst v63  }
0x120: {  	s7 =	sld [smem:$0x7FA]  }
0x121: {  	[tilespmem:s6], [sflag:$0x4] =	stream.indirect_vreg.gather [hbm4b:s5+s3], $0x80, v3, vm0, $0xb8;
	[tilespmem:$0x14300] =	vst v63  }
0x122: {  	_ = 	snop  }
0x123: {  	[tilespmem:s7], [sflag:$0x4] =	stream.indirect_vreg.gather [hbm4b:s8+s3], $0x80, v3, vm0, $0xb8;
	[tilespmem:$0x14300] =	vst v63  }
0x124: {  	v3 =	vld [tilespmem:$0x2B0];
	_ =	sdelay $0x4  }
0x125: {  	v62 =	vshll.u32 v3, $0x2  }
0x126: {  	v3 =	vand.u32 $0x7, v3;
	v4 =	vand.u32 $0xFFFFFFE0, v62  }
0x127: {  	v3 =	vor.u32 v3, v4  }
0x128: {  	v4 =	vperm.xlane v3, v0;
	_ =	sdelay $0x1  }
0x129: {  	v4 =	vadd.s32 v1, v4;
	_ =	sdelay $0x1  }
0x12a: {  	s7 =	sld [smem:$0x7FB];
	v3 =	vperm.xlane v3, v2;
	_ =	sdelay $0x1  }
0x12b: {  	s13 =	sld [smem:$0x7FC];
	v3 =	vadd.s32 v1, v3  }
0x12c: {  	[tilespmem:s7], [sflag:$0x4] =	stream.indirect_vreg.gather [hbm4b:s5+s3], $0x80, v4, vm0, $0xb8;
	[tilespmem:$0x14300] =	vst v63  }
0x12d: {  	s7 =	sld [smem:$0x7FD]  }
0x12e: {  	[tilespmem:s13], [sflag:$0x4] =	stream.indirect_vreg.gather [hbm4b:s8+s3], $0x80, v4, vm0, $0xb8;
	[tilespmem:$0x14300] =	vst v63  }
0x12f: {  	_ = 	snop  }
0x130: {  	[tilespmem:s7], [sflag:$0x4] =	stream.indirect_vreg.gather [hbm4b:s5+s3], $0x80, v3, vm0, $0xb8;
	[tilespmem:$0x14300] =	vst v63  }
0x131: {  	_ = 	snop  }
0x132: {  	[tilespmem:s19], [sflag:$0x4] =	stream.indirect_vreg.gather [hbm4b:s8+s3], $0x80, v3, vm0, $0xb8;
	[tilespmem:$0x14300] =	vst v63  }
0x133: {  	v3 =	vld [tilespmem:$0x2C0];
	_ =	sdelay $0x4  }
0x134: {  	v63 =	vshll.u32 v3, $0x2  }
0x135: {  	v3 =	vand.u32 $0x7, v3;
	v4 =	vand.u32 $0xFFFFFFE0, v63  }
0x136: {  	v3 =	vor.u32 v3, v4  }
0x137: {  	v4 =	vperm.xlane v3, v0;
	_ =	sdelay $0x1  }
0x138: {  	v4 =	vadd.s32 v1, v4;
	_ =	sdelay $0x1  }
0x139: {  	v3 =	vperm.xlane v3, v2;
	_ =	sdelay $0x1  }
0x13a: {  	v3 =	vadd.s32 v1, v3  }
0x13b: {  	[tilespmem:s20], [sflag:$0x4] =	stream.indirect_vreg.gather [hbm4b:s5+s3], $0x80, v4, vm0, $0xb8;
	[tilespmem:$0x14300] =	vst v63  }
0x13c: {  	_ = 	snop  }
0x13d: {  	[tilespmem:s21], [sflag:$0x4] =	stream.indirect_vreg.gather [hbm4b:s8+s3], $0x80, v4, vm0, $0xb8;
	[tilespmem:$0x14300] =	vst v63  }
0x13e: {  	p0 =	seq.s32 s1, $0x2F800  }
0x13f: {  	[tilespmem:s22], [sflag:$0x4] =	stream.indirect_vreg.gather [hbm4b:s5+s3], $0x80, v3, vm0, $0xb8;
	[tilespmem:$0x14300] =	vst v63  }
0x140: {  	s6 =	sshrl.u32 @!p0 s31, $0x3  }
0x141: {  	[tilespmem:s23], [sflag:$0x4] =	stream.indirect_vreg.gather [hbm4b:s8+s3], $0x80, v3, vm0, $0xb8;
	[tilespmem:$0x14300] =	vst v63  }
0x142: {  	s13 =	sadd.s32 @!p0 s4, s6;
	s7 =	simm.s32 @!p0 $0x0  }
0x143: {  	[tilespmem:s7], [sflag:$0x1] =	stream.linear.gather @!p0 [hbm4b:s13+s7], $0x50, $0x38;
	[tilespmem:$0x14300] =	vst v63  }
0x144: {  	s1 =	sadd.s32 $0x2800, s1;
	s6 =	sadd.s32 @!p0 s2, s6;
	s13 =	simm.s32 @!p0 $0x100  }
0x145: {  	[tilespmem:s13], [sflag:$0x1] =	stream.linear.gather @!p0 [hbm4b:s6+s7], $0x50, $0x38;
	[tilespmem:$0x14300] =	vst v63  }
0x146: {  	p0 =	sne.s32 s1, $0x32000  }
.Ltmp0:
0x147: {  	_ = 	snop;
	(pc) =	sbr.rel @p0 .LBB2_2-.Ltmp0, $4  }
0x148: {  	_ =	swait.ge [sflag:s24], $0xA000  }
0x149: {  	s29 =	sadd.s32 $0x14, s29;
	s30 =	sadd.s32 $0x14, s30;
	[sflag:s24] =	ssyncset.done $0x0  }
0x14a: {  	s0 =	sadd.s32 $0x1400, s0;
	s31 =	sadd.s32 $0xA0, s31;
	[sflag:s24] =	ssyncadd.s32 $0xFFFF6000  }
0x14b: {  	[hbm4b:s0+s3] =	stream.linear.scatter [tilespmem:s18], [sflag:$0x6], $0xA000, $0x38;
	[tilespmem:$0x14300] =	vst v63  }
0x14c: {  	s28 =	sadd.s32 $0x1, s28  }
0x14d: {  	_ =	swait.ge [sflag:s25], $0xA000;
	p0 =	sne.s32 s28, s9  }
.Ltmp1:
0x14e: {  	[sflag:s25] =	ssyncset.done $0x0;
	(pc) =	sbr.rel @p0 .LBB2_1-.Ltmp1, $4  }
0x14f: {  	[sflag:s25] =	ssyncadd.s32 $0xFFFF6000  }
0x150: {  	_ =	swait.ge [sflag:s26], $0xA000  }
0x151: {  	[sflag:s26] =	ssyncset.done $0x0  }
0x152: {  	[sflag:s26] =	ssyncadd.s32 $0xFFFF6000  }
0x153: {  	_ =	sfence.sel $0x180000  }
0x154: {  	[bflag:$0x0] =	sbarrier.arrive $0xFFFF  }
0x155: {  	_ =	strace $0x90000047  }
0x156: {  	s0 =	stileid.u32;
	[bflag:$0x2] =	sbarrier.arrive $0xFFFF  }
0x157: {  	p0 =	sne.s32 s0, $0x0;
	s0 =	rddreg [dreg:$0x2]  }
0x158: {  	s0 =	sadd.s32 @!p0 $0x100000, s0  }
0x159: {  	[sflag:s0] =	ssyncadd.tile.s32 @!p0 $0x1;
	_ =	shalt  }
.Lfunc_end2:
_tile_overlayer_lowered:
.L_overlay_start_2:
0x15a: {  	(tag) =	ssettag $0x2  }
0x15b: {  	s0 =	rddreg [dreg:$0x0];
	s2 =	stileid.u32  }
0x15c: {  	s1 =	rddreg [dreg:$0x1];
	p0 =	sne.s32 s2, $0x0  }
0x15d: {  	s3 =	rddreg [dreg:$0x2];
	[bflag:$0x3] =	sbarrier.arrive $0xFFFF;
	s2 =	simm.s32 @!p0 $0x1C07  }
0x15e: {  	[timem:s3], [sflag:s2] =	dma.local @!p0 [hbm:s0], s1  }
0x15f: {  	s0 =	simm.s32 @!p0 $0x7  }
0x160: {  	_ =	swait.ge @!p0 [sflag:s0], s1  }
0x161: {  	s1 =	ssub.s32 @!p0 $0x0, s1;
	[sflag:s0] =	ssyncset.done @!p0 $0x0  }
0x162: {  	[sflag:s0] =	ssyncadd.s32 @!p0 s1  }
0x163: {  	[bflag:$0x3] =	sbarrier.arrive $0xFFFF  }
0x164: {  	_ =	shalt  }

// kernel: sparse-core-data-format-call.cloned.1.call-start
scs
called_computation_lowered:
.L_overlay_start_0:
0x0: {  	s2 =	sld [smem:$0x3FD9]  }
0x1: {  	s3 =	sld [smem:$0x3FFE];
	_ =	sdelay $0x1  }
0x2: {  	s1 =	srdreg.scid  }
0x3: {  	s0 =	sand.u32 $0x1, s1  }
0x4: {  	s18 =	sshll.u32 s0, $0xA;
	s2 =	sadd.s32 s3, s2  }
0x5: {  	s2 =	sadd.s32 s2, s18  }
0x6: {  	[smem:$0x3FC6] =	sst s2  }
0x7: {  	_ = 	snop  }
0x8: {  	s2 =	sld [smem:$0x3FD0];
	(tm) =	ssettm $0x1  }
0x9: {  	s19 =	sld [smem:$0x3FFB];
	_ =	sdelay $0x3  }
0xa: {  	_ =	strace s19  }
0xb: {  	s3 =	sld [smem:$0x3FFC];
	_ =	sdelay $0x3  }
0xc: {  	_ =	strace s3  }
0xd: {  	s3 =	sld [smem:$0x3FFD];
	_ =	sdelay $0x3  }
0xe: {  	_ =	strace s3  }
0xf: {  	_ =	strace $0x8FFFFFFF  }
0x10: {  	s20 =	sld [smem:$0x3FDB];
	_ =	sdelay $0x1  }
0x11: {  	s4 =	simm.s32 $_scs_section_size  }
0x12: {  	s5 =	simm.s32 $_size__tile_overlayer_lowered;
	s6 =	simm.s32 $_tile_overlayer_lowered  }
0x13: {  	s23 =	simm.s32 $0x1BFF;
	s22 =	sshll.u32 s6, $0x1;
	s3 =	sadd.s32 s4, s20  }
0x14: {  	s7 =	simm.s32 $0x0;
	s21 =	sshll.u32 s5, $0x1;
	s5 =	sadd.s32 s22, s3  }
0x15: {  	[timem:s7], [sflag:s23] =	dma.local [hbm:s5], s21  }
0x16: {  	_ =	swait.ge [sflag:s23], s21  }
0x17: {  	s4 =	ssub.s32 $0x0, s21;
	[sflag:s23] =	ssyncset.done $0x0  }
0x18: {  	[sflag:s23] =	ssyncadd.s32 s4;
	_ =	sdelay $0x1  }
0x19: {  	s24 =	simm.s32 $0x1B8B  }
0x1a: {  	_ =	swait.ge [sflag:s24], $0x1  }
0x1b: {  	[sflag:s24] =	ssyncset.done $0x0  }
0x1c: {  	s26 =	simm.s32 $0x1B8E;
	s25 =	sld [smem:$0x3FFE];
	[sflag:s24] =	ssyncadd.s32 $0xFFFFFFFF  }
0x1d: {  	s27 =	simm.s32 $execute0_lowered;
	[smem:$0x3FD2] =	sst s26  }
0x1e: {  	s5 =	sshll.u32 s27, $0x1;
	_ =	strace $0x80000049;
	[dreg:$0x1] =	wrdreg $0xFFFFFFFF  }
0x1f: {  	s28 =	simm.s32 $_size_execute0_lowered;
	s3 =	sadd.s32 s3, s5;
	[dreg:$0x0] =	wrdreg $0x0  }
0x20: {  	s5 =	sshll.u32 s28, $0x1;
	[dreg:$0x2] =	wrdreg s3  }
0x21: {  	[dreg:$0x3] =	wrdreg s5  }
0x22: {  	[dreg:$0x4] =	wrdreg $0xC0  }
0x23: {  	_ =	task [dreg:s7], $0x5FFFF  }
0x24: {  	[dreg:$0x1] =	wrdreg $0xFFFFFFFF  }
0x25: {  	[dreg:$0x0] =	wrdreg $0x60  }
0x26: {  	[dreg:$0x2] =	wrdreg s25  }
0x27: {  	[dreg:$0x3] =	wrdreg s2  }
0x28: {  	[dreg:$0x4] =	wrdreg $0x9  }
0x29: {  	_ =	task.clear_ibuf [dreg:s7], $0x5FFFF;
	_ =	strace $0x90000049  }
0x2a: {  	s29 =	simm.s32 $0x9;
	_ =	strace $0x8000004B  }
0x2b: {  	_ =	swait.ge [sflag:s29], $0x1  }
0x2c: {  	[sflag:s29] =	ssyncadd.s32 $0xFFFFFFFF  }
0x2d: {  	_ =	strace $0x9000004B  }
0x2e: {  	_ =	sfence  }
0x2f: {  	s30 =	sld [smem:$0x0];
	_ =	sdelay $0x2  }
0x30: {  	s31 =	sshll.u32 s1, $0xD;
	s1 =	sshrl.u32 s1, $0x2  }
0x31: {  	s3 =	sand.u32 $0x4000, s31;
	s1 =	sadd.s32 s1, s30  }
0x32: {  	s0 =	sor.u32 s3, s0;
	s1 =	sshll.u32 s1, $0x11  }
0x33: {  	s0 =	sor.u32 s1, s0  }
0x34: {  	s0 =	sadd.s32 $0x8F2B, s0  }
0x35: {  	[sflag:s0] =	ssyncadd.remote.s32 $0x1  }
0x36: {  	_ =	sfence.sel $0xFFFF  }
0x37: {  	[dreg:$0x0] =	wrdreg $0xFFFFFFFF;
	(pc) =	sbr.abs _section_cstart, $3  }
0x38: {  	[dreg:$0x1] =	wrdreg $0xFFFFFFFF  }
0x39: {  	_ =	task.clear_ibuf [dreg:s7], $0x2FFFF;
	_ =	strace $0x9FFFFFFF  }
0x3a: {  	(tm) =	ssettm $0x7FFFFFFF  }
0x3b: {  	_ =	shalt  }
tec
execute0_lowered:
.L_overlay_start_1:
0x0: {  	(tag) =	ssettag $0x1  }
0x1: {  	s0 =	srdreg.scid  }
0x2: {  	s1 =	sshll.u32 s0, $0x4  }
0x3: {  	s0 =	stileid.u32;
	s1 =	sand.u32 $0x10, s1  }
0x4: {  	s1 =	sor.u32 s0, s1  }
0x5: {  	s3 =	rddreg [dreg:$0x0];
	s2 =	sshll.u32 s1, $0x7  }
0x6: {  	s5 =	simm.s32 $0x1;
	s7 =	simm.s32 $0x2;
	s1 =	ssub.s32 $0x4000, s2  }
0x7: {  	s12 =	simm.s32 $0x0;
	s8 =	simm.s32 $0x20000;
	s4 =	sand.u32 $0xF80, s1  }
0x8: {  	s13 =	simm.s32 $0x0;
	s6 =	sshrl.u32 s1, $0xC;
	p0 =	sne.s32 s4, $0x0  }
.Ltmp0:
0x9: {  	s1 =	rddreg [dreg:$0x2];
	s5 =	simm.s32 @!p0 $0x0;
	(pc) =	sbr.rel .LBB1_1-.Ltmp0, $4  }
0xa: {  	s9 =	simm.s32 $0x0;
	s4 =	rddreg [dreg:$0x1];
	s6 =	sadd.s32 s5, s6  }
0xb: {  	_ =	strace $0x8000004A;
	s5 =	simm.s32 $0x1;
	s6 =	smul.u32 $0x32, s6  }
0xc: {  	s11 =	simm.s32 $0x0;
	s10 =	smov.u32 s2;
	[sflag:s5] =	ssyncpa.u1 $0x0  }
0xd: {  	p0 =	por $0x0, $0x0;
	[sflag:s7] =	ssyncpa.u1 $0x0;
	s7 =	sor.u32 $0x1, s6  }
.LBB1_4:
0xe: {  	s16 =	sshll.u32 s13, $0x3;
	s17 =	sand.u32 $0x78, s13  }
0xf: {  	s30 =	sand.u32 $0x1F800, s13;
	s12 =	sshll.u32 s12, $0x11;
	s16 =	sand.u32 $0x3C00, s16  }
0x10: {  	[tilespmem:s15+$0x810 ss:$0x81] =	vst.msk $0xffff, v2;
	s31 =	sand.u32 $0x7, s13;
	s16 =	sor.u32 s17, s16;
	s17 =	sadd.s32 s4, s30  }
0x11: {  	[tilespmem:s15+$0x1020 ss:$0x81] =	vst.msk $0xffff, v0;
	s13 =	sshll.u32 s31, $0x12;
	s12 =	sadd.s32 s12, s17;
	s16 =	sshrl.u32 s16, $0x3  }
0x12: {  	[tilespmem:s15+$0x0 ss:$0x81] =	vst.msk $0xffff, v1;
	s13 =	sor.u32 $0x400, s13;
	s12 =	sadd.s32 s16, s12  }
0x13: {  	[hbm4b:s12+s13] =	stream.strided.scatter [tilespmem:s14], [sflag:$0x2], $0x2000, s8, s13, $0x20;
	[tilespmem:$0x8080] =	vst v63  }
.LBB1_5:
0x14: {  	s14 =	sadd.s32 $0x1, s9  }
0x15: {  	s12 =	sadd.s32 $0x1000, s10;
	s16 =	smov.u32 s10;
	p2 =	sgt.s32 s14, $0x31  }
0x16: {  	s16 =	smov.u32 @p2 s12  }
0x17: {  	s14 =	simm.s32 @p2 $0x0;
	p2 =	sgt.s32 s16, $0x3FFF  }
0x18: {  	s16 =	smov.u32 @p2 s2;
	p2 =	sne.s32 s11, s7  }
.Ltmp1:
0x19: {  	p1 =	slt.u32 s11, $0x2;
	(pc) =	sbr.rel @!p2 .LBB1_6-.Ltmp1, $4  }
0x1a: {  	s15 =	simm.s32 @!p1 $0x2  }
0x1b: {  	s13 =	smov.u32 s10;
	p0 =	por !p0, !p0;
	_ =	swait.ge @!p1 [sflag:s15], $0x2000  }
0x1c: {  	s12 =	smov.u32 s9;
	[sflag:s15] =	ssyncset.done @!p1 $0x0;
	s9 =	smov.u32 s14  }
0x1d: {  	s11 =	sadd.s32 $0x1, s11;
	[sflag:s15] =	ssyncadd.s32 @!p1 $0xFFFFE000;
	s10 =	smov.u32 s16  }
.LBB1_1:
0x1e: {  	p1 =	sge.u32 s11, s6  }
0x1f: {  	s14 =	sand.u32 @!p1 $0x1FFFFFF, s9  }
0x20: {  	s15 =	smulhi.u32 @!p1 $0x4924925, s14;
	_ =	sdelay $0x1  }
0x21: {  	s15 =	smul.u32 @!p1 $0x38, s15  }
0x22: {  	s16 =	sxor.u32 @!p1 $0xFFFFFFFF, s11;
	s17 =	smul.u32 @!p1 $0x380, s10  }
0x23: {  	s31 =	sadd.s32 $0xFFFFFFFF, s11;
	s16 =	sshll.u32 @!p1 s16, $0xD;
	s14 =	ssub.s32 @!p1 s14, s15  }
0x24: {  	s15 =	sand.u32 @!p1 $0x2000, s16;
	s16 =	sadd.s32 @!p1 s3, s17;
	s14 =	sshll.u32 @!p1 s14, $0x4  }
0x25: {  	s17 =	simm.s32 @!p1 $0x1C00;
	s14 =	sadd.s32 @!p1 s14, s16;
	s16 =	simm.s32 @!p1 $0x40  }
0x26: {  	[tilespmem:s15], [sflag:$0x1] =	stream.strided.gather @!p1 [hbm4b:s14+s16], $0x2000, s17, s16, $0x38;
	[tilespmem:$0x8080] =	vst v63  }
0x27: {  	p1 =	sge.u32 s31, s6  }
.Ltmp2:
0x28: {  	_ = 	snop;
	(pc) =	sbr.rel @p1 .LBB1_5-.Ltmp2, $1  }
0x29: {  	_ =	sdelay $0x3  }
0x2a: {  	s14 =	simm.s32 $0x1  }
0x2b: {  	_ =	swait.ge [sflag:s5], $0x2000;
	s14 =	simm.s32 @!p0 $0x0  }
0x2c: {  	[sflag:s5] =	ssyncset.done $0x0;
	s15 =	sshll.u32 s14, $0xD  }
0x2d: {  	[sflag:s5] =	ssyncadd.s32 $0xFFFFE000;
	s18 =	sor.u32 $0x20, s15  }
0x2e: {  	s14 =	smul.u32 $0x8100, s14;
	v3 =	vld [tilespmem:s18+$0x10]  }
0x2f: {  	s30 =	sand.u32 $0x1, s11;
	v2 =	vld [tilespmem:s18+$0xFFFFFFF0]  }
0x30: {  	s15 =	smul.u32 $0x8100, s30;
	s14 =	sshrl.u32 s14, $0x2;
	v0 =	vld [tilespmem:s18+$0x0]  }
0x31: {  	v1 =	vld [tilespmem:s18+$0xFFFFFFE0];
	s16 =	sor.u32 $0x4000, s14  }
0x32: {  	s31 =	sshrl.u32 s15, $0x2;
	s15 =	sadd.s32 $0x0, s16  }
0x33: {  	s17 =	simm.s32 $0x4;
	s18 =	sadd.s32 $0x40, s18;
	s14 =	sor.u32 $0x4000, s31;
	[tilespmem:s15+$0x1830 ss:$0x81] =	vst.msk $0xffff, v3  }
.LBB1_3:
0x34: {  	v3 =	vld [tilespmem:s18+$0x10];
	p1 =	sne.s32 s17, $0x1FC;
	[tilespmem:s15+$0x810 ss:$0x81] =	vst.msk $0xffff, v2;
	s19 =	smov.u32 s17;
	s17 =	sadd.s32 $0x4, s17  }
.Ltmp3:
0x35: {  	v2 =	vld [tilespmem:s18+$0xFFFFFFF0];
	[tilespmem:s15+$0x1020 ss:$0x81] =	vst.msk $0xffff, v0;
	(pc) =	sbr.rel @p1 .LBB1_3-.Ltmp3, $4  }
0x36: {  	v0 =	vld [tilespmem:s18+$0x0];
	[tilespmem:s15+$0x0 ss:$0x81] =	vst.msk $0xffff, v1  }
0x37: {  	s15 =	sshra.s32 s19, $0x2;
	v1 =	vld [tilespmem:s18+$0xFFFFFFE0]  }
0x38: {  	s15 =	sadd.s32 s15, s16  }
0x39: {  	s18 =	sadd.s32 $0x40, s18;
	[tilespmem:s15+$0x1830 ss:$0x81] =	vst.msk $0xffff, v3  }
.Ltmp4:
0x3a: {  	_ = 	snop;
	(pc) =	sbr.rel .LBB1_4-.Ltmp4, $1  }
0x3b: {  	_ =	sdelay $0x3  }
.LBB1_6:
0x3c: {  	_ =	sfence.sel $0x180000  }
0x3d: {  	s2 =	simm.s32 $0x1;
	[bflag:$0x0] =	sbarrier.arrive $0xFFFF  }
0x3e: {  	s31 =	simm.s32 $0x2;
	[sflag:s2] =	ssyncpa.u1 $0x1  }
0x3f: {  	[sflag:s31] =	ssyncpa.u1 $0x1  }
0x40: {  	p0 =	sne.s32 s0, $0x0;
	_ =	strace $0x9000004A  }
0x41: {  	s0 =	sadd.s32 @!p0 $0x100000, s1;
	[bflag:$0x2] =	sbarrier.arrive $0xFFFF  }
0x42: {  	[sflag:s0] =	ssyncadd.tile.s32 @!p0 $0x1;
	_ =	shalt  }
.Lfunc_end1:
_tile_overlayer_lowered:
.L_overlay_start_2:
0x43: {  	(tag) =	ssettag $0x2  }
0x44: {  	s0 =	rddreg [dreg:$0x0];
	s2 =	stileid.u32  }
0x45: {  	s1 =	rddreg [dreg:$0x1];
	p0 =	sne.s32 s2, $0x0  }
0x46: {  	s3 =	rddreg [dreg:$0x2];
	[bflag:$0x3] =	sbarrier.arrive $0xFFFF;
	s2 =	simm.s32 @!p0 $0x1C01  }
0x47: {  	[timem:s3], [sflag:s2] =	dma.local @!p0 [hbm:s0], s1  }
0x48: {  	s0 =	simm.s32 @!p0 $0x1  }
0x49: {  	_ =	swait.ge @!p0 [sflag:s0], s1  }
0x4a: {  	s1 =	ssub.s32 @!p0 $0x0, s1;
	[sflag:s0] =	ssyncset.done @!p0 $0x0  }
0x4b: {  	[sflag:s0] =	ssyncadd.s32 @!p0 s1  }
0x4c: {  	[bflag:$0x3] =	sbarrier.arrive $0xFFFF  }
0x4d: {  	_ =	shalt  }

</sc_bundles>
